<compile_context>
chip_gen: v7x
topology: tpu7x:2x2x1
jax: 0.10.2.dev20260603
libtpu: 0.0.44.dev20260713+nightly
codegen_flags: <defaults>
</compile_context>

<pallas_src>
import functools

import jax
import jax.numpy as jnp
from jax import lax
from jax.experimental import pallas as pl
from jax.experimental.pallas import tpu as pltpu
from jax.experimental.pallas import tpu_sc as plsc

VOCAB = 1000000
EMBED = 32
NUM_CLASS = 5
BATCH = 4096
TOTAL = 204800

NC = 2
NS = 16
NW = NC * NS

DPW = BATCH // NW
TAIL = TOTAL - BATCH
PER_W = TAIL // NW
STR_LEN = 128
NSTR = PER_W // STR_LEN
G = 7
NGROUP = NSTR // G

_mesh = plsc.VectorSubcoreMesh(core_axis_name="c", subcore_axis_name="s")


@functools.partial(
    pl.kernel,
    out_type=[
        jax.ShapeDtypeStruct((BATCH, EMBED), jnp.float32),
        jax.ShapeDtypeStruct((NW, 1, EMBED), jnp.float32),
    ],
    mesh=_mesh,
    compiler_params=pltpu.CompilerParams(use_tc_tiling_on_sc=False),
    scratch_types=[
        pltpu.VMEM((1, DPW), jnp.int32),
        pltpu.VMEM((NSTR, STR_LEN), jnp.int32),
        pltpu.VMEM((DPW, EMBED), jnp.float32),
        pltpu.VMEM((G, STR_LEN, EMBED), jnp.float32),
        pltpu.VMEM((1, EMBED), jnp.float32),
        pltpu.SemaphoreType.DMA,
        pltpu.SemaphoreType.DMA,
    ],
)
def _sc_embed(t1_hbm, t2_hbm, table_hbm, sums_hbm, parts_hbm,
              idx1_v, idx2_v, rows1_v, rows2_v, acc_v, sem1, sem2):
    w = lax.axis_index("s") * NC + lax.axis_index("c")

    pltpu.sync_copy(t1_hbm.at[w], idx1_v)
    pltpu.async_copy(table_hbm.at[idx1_v.at[0]], rows1_v, sem1).wait()
    pltpu.sync_copy(rows1_v, sums_hbm.at[pl.ds(w * DPW, DPW)])

    pltpu.sync_copy(t2_hbm.at[w], idx2_v)

    zero = jnp.zeros((16,), jnp.float32)

    def group_body(g, carry):
        a0, a1, b0, b1 = carry
        copies = [
            pltpu.async_copy(
                table_hbm.at[idx2_v.at[g * G + j]], rows2_v.at[j], sem2)
            for j in range(G)
        ]
        for c in copies:
            c.wait()
        for j in range(G):
            def row_body(ri, acc, _j=j):
                a0, a1, b0, b1 = acc
                r = ri * 2
                a0 = a0 + rows2_v[_j, r, pl.ds(0, 16)]
                a1 = a1 + rows2_v[_j, r, pl.ds(16, 16)]
                b0 = b0 + rows2_v[_j, r + 1, pl.ds(0, 16)]
                b1 = b1 + rows2_v[_j, r + 1, pl.ds(16, 16)]
                return (a0, a1, b0, b1)
            a0, a1, b0, b1 = lax.fori_loop(
                0, STR_LEN // 2, row_body, (a0, a1, b0, b1))
        return (a0, a1, b0, b1)

    a0, a1, b0, b1 = lax.fori_loop(
        0, NGROUP, group_body, (zero, zero, zero, zero))

    acc_v[0, pl.ds(0, 16)] = a0 + b0
    acc_v[0, pl.ds(16, 16)] = a1 + b1
    pltpu.sync_copy(acc_v, parts_hbm.at[w])


def _dense_body(sums_ref, parts_ref, off_ref, noff_ref, fcw_ref, fcb_ref,
                out_ref):
    sums = sums_ref[...]
    extra = jnp.sum(parts_ref[...], axis=0)
    rows = lax.broadcasted_iota(jnp.int32, (BATCH, 1), 0)
    last = jnp.where(rows == BATCH - 1, 1.0, 0.0)
    sums = sums + last * extra
    counts = (noff_ref[...] - off_ref[...]).astype(jnp.float32)
    mean = sums / jnp.maximum(counts, 1.0)
    out_ref[...] = lax.dot_general(
        mean, fcw_ref[...], (((1,), (1,)), ((), ())),
        preferred_element_type=jnp.float32) + fcb_ref[...]


def kernel(text, offset, emb_weight, fc_weight, fc_bias):
    text = text.astype(jnp.int32)
    t1 = text[:BATCH].reshape(NW, 1, DPW)
    t2 = text[BATCH:].reshape(NW, NSTR, STR_LEN)
    sums, parts = _sc_embed(t1, t2, emb_weight)

    off = offset.astype(jnp.int32)
    noff = jnp.concatenate(
        [off[1:], jnp.array([TOTAL], jnp.int32)]).reshape(BATCH, 1)
    out = pl.pallas_call(
        _dense_body,
        out_shape=jax.ShapeDtypeStruct((BATCH, NUM_CLASS), jnp.float32),
    )(sums, parts, off.reshape(BATCH, 1), noff, fc_weight,
      fc_bias.reshape(1, NUM_CLASS))
    return out

# --- scband reference (transcript-rebuilt; emitter-appended) ---
"""Pipeline reference for scband-text-sentiment-75411035783650 (READ-ONLY COPY).

The authoritative reference and input builder live on the scoring server;
editing this copy changes nothing except your own understanding.
"""

import jax, jax.numpy as jnp
import numpy as np

VOCAB = 1000000
EMBED = 32
NUM_CLASS = 5
BATCH = 4096
TOTAL = 204800


def setup_inputs(seed: int = 0) -> dict:
    key = jax.random.key(seed)
    k1, k2, k3 = jax.random.split(key, 3)
    text = jax.random.randint(k1, (TOTAL,), 0, VOCAB)
    offset = jnp.arange(BATCH)
    emb_weight = jax.random.uniform(k2, (VOCAB, EMBED), minval=-0.5, maxval=0.5, dtype=jnp.float32)
    fc_weight = jax.random.uniform(k3, (NUM_CLASS, EMBED), minval=-0.5, maxval=0.5, dtype=jnp.float32)
    fc_bias = jnp.zeros((NUM_CLASS,), dtype=jnp.float32)
    return {"text": text, "offset": offset, "emb_weight": emb_weight, "fc_weight": fc_weight, "fc_bias": fc_bias}


def reference(text, offset, emb_weight, fc_weight, fc_bias):
    # nn.EmbeddingBag(mode='mean') with offsets: bag i covers indices
    # text[offset[i] : offset[i+1]] (last bag runs to end of text).
    n = text.shape[0]
    seg = jnp.searchsorted(offset, jnp.arange(n), side="right") - 1
    emb = jnp.take(emb_weight, text, axis=0)  # gather [TOTAL, EMBED]
    sums = jax.ops.segment_sum(emb, seg, num_segments=BATCH)
    counts = jax.ops.segment_sum(jnp.ones((n,), dtype=emb.dtype), seg, num_segments=BATCH)
    mean = sums / jnp.maximum(counts, 1.0)[:, None]
    return mean @ fc_weight.T + fc_bias

if __name__ == "__main__":
    import jax
    _d = setup_inputs()
    print(jax.jit(kernel)(*tuple(_d.values())))

</pallas_src>

<mosaic_0001>
#map = affine_map<(d0, d1) -> (0, 0, 0)>
#map1 = affine_map<(d0, d1) -> (0, 0)>
module attributes {stable_mosaic.version = 14 : i64} {
  func.func @_sc_embed(%arg0: i32, %arg1: i32, %arg2: memref<32x1x128xi32, #tpu.memory_space<hbm>>, %arg3: memref<32x49x128xi32, #tpu.memory_space<hbm>>, %arg4: memref<1000000x32xf32, #tpu.memory_space<hbm>>, %arg5: memref<4096x32xf32, #tpu.memory_space<hbm>>, %arg6: memref<32x1x32xf32, #tpu.memory_space<hbm>>, %arg7: memref<1x128xi32, #tpu.memory_space<vmem>>, %arg8: memref<49x128xi32, #tpu.memory_space<vmem>>, %arg9: memref<128x32xf32, #tpu.memory_space<vmem>>, %arg10: memref<7x128x32xf32, #tpu.memory_space<vmem>>, %arg11: memref<1x32xf32, #tpu.memory_space<vmem>>, %arg12: memref<!tpu.dma_semaphore, #tpu.memory_space<semaphore_mem>>, %arg13: memref<!tpu.dma_semaphore, #tpu.memory_space<semaphore_mem>>) attributes {dimension_semantics = [#tpu.dimension_semantics<core_parallel>, #tpu.dimension_semantics<subcore_parallel>], iteration_bounds = array<i64: 2, 16>, scalar_prefetch = 0 : i64, scratch_operands = 7 : i64, tpu.core_type = #tpu.core_type<sc_vector_subcore>, window_params = [{transform_indices = #map}, {transform_indices = #map}, {transform_indices = #map1}, {transform_indices = #map1}, {transform_indices = #map}]} {
    %mul3A = arith.constant 2 : i32
    %mul3A_0 = arith.muli %arg1, %mul3A : i32
    %add3A = arith.addi %mul3A_0, %arg0 : i32
    "tpu.region"() ({
      %run_scoped3A = tpu.sem_alloc : memref<!tpu.dma_semaphore, #tpu.memory_space<semaphore_mem>>
      %dma_start3A_34 = arith.constant 0 : i32
      %dma_start3A_35 = arith.constant 0 : i32
      %dma_start3A_36 = tpu.memref_slice %arg2[%add3A, %dma_start3A_34, %dma_start3A_35] : memref<32x1x128xi32, #tpu.memory_space<hbm>> -> memref<1x1x128xi32, #tpu.memory_space<hbm>>
      %dma_start3A_37 = tpu.memref_squeeze %dma_start3A_36 : memref<1x1x128xi32, #tpu.memory_space<hbm>> -> memref<1x128xi32, #tpu.memory_space<hbm>>
      %dma_start3A_38 = arith.constant 0 : i32
      %dma_start3A_39 = arith.constant 0 : i32
      %dma_start3A_40 = tpu.memref_slice %arg2[%add3A, %dma_start3A_38, %dma_start3A_39] : memref<32x1x128xi32, #tpu.memory_space<hbm>> -> memref<1x1x128xi32, #tpu.memory_space<hbm>>
      %dma_start3A_41 = tpu.memref_squeeze %dma_start3A_40 : memref<1x1x128xi32, #tpu.memory_space<hbm>> -> memref<1x128xi32, #tpu.memory_space<hbm>>
      tpu.enqueue_dma source(%dma_start3A_41 : memref<1x128xi32, #tpu.memory_space<hbm>>) target(%arg7 : memref<1x128xi32, #tpu.memory_space<vmem>>) target_semaphore(%run_scoped3A : memref<!tpu.dma_semaphore, #tpu.memory_space<semaphore_mem>>)
      %dma_wait3A_42 = arith.constant 0 : i32
      %dma_wait3A_43 = arith.constant 0 : i32
      %dma_wait3A_44 = tpu.memref_slice %arg2[%add3A, %dma_wait3A_42, %dma_wait3A_43] : memref<32x1x128xi32, #tpu.memory_space<hbm>> -> memref<1x1x128xi32, #tpu.memory_space<hbm>>
      %dma_wait3A_45 = tpu.memref_squeeze %dma_wait3A_44 : memref<1x1x128xi32, #tpu.memory_space<hbm>> -> memref<1x128xi32, #tpu.memory_space<hbm>>
      %dma_wait3A_46 = arith.constant 0 : i32
      %dma_wait3A_47 = arith.constant 0 : i32
      %dma_wait3A_48 = tpu.memref_slice %arg2[%add3A, %dma_wait3A_46, %dma_wait3A_47] : memref<32x1x128xi32, #tpu.memory_space<hbm>> -> memref<1x1x128xi32, #tpu.memory_space<hbm>>
      %dma_wait3A_49 = tpu.memref_squeeze %dma_wait3A_48 : memref<1x1x128xi32, #tpu.memory_space<hbm>> -> memref<1x128xi32, #tpu.memory_space<hbm>>
      tpu.wait_dma2 semaphore(%run_scoped3A : memref<!tpu.dma_semaphore, #tpu.memory_space<semaphore_mem>>) src(%dma_wait3A_49 : memref<1x128xi32, #tpu.memory_space<hbm>>) dst(%arg7 : memref<1x128xi32, #tpu.memory_space<vmem>>)
      tpu.yield
    }) : () -> ()
    %dma_start3A = arith.constant 0 : i32
    %dma_start3A_1 = arith.constant 0 : i32
    %dma_start3A_2 = tpu.memref_slice %arg7[%dma_start3A, %dma_start3A_1] : memref<1x128xi32, #tpu.memory_space<vmem>> -> memref<1x128xi32, #tpu.memory_space<vmem>>
    %dma_start3A_3 = tpu.memref_squeeze %dma_start3A_2 : memref<1x128xi32, #tpu.memory_space<vmem>> -> memref<128xi32, #tpu.memory_space<vmem>>
    %dma_start3A_4 = arith.constant 0 : i32
    %dma_start3A_5 = arith.constant 0 : i32
    %dma_start3A_6 = tpu.memref_slice %arg4[%dma_start3A_4, %dma_start3A_5] : memref<1000000x32xf32, #tpu.memory_space<hbm>> -> memref<1000000x32xf32, #tpu.memory_space<hbm>>
    tpu.enqueue_indirect_dma source(%dma_start3A_6 : memref<1000000x32xf32, #tpu.memory_space<hbm>>) target(%arg9 : memref<128x32xf32, #tpu.memory_space<vmem>>) offsets(%dma_start3A_3 : memref<128xi32, #tpu.memory_space<vmem>>) semaphore(%arg12 : memref<!tpu.dma_semaphore, #tpu.memory_space<semaphore_mem>>)
    %dma_wait3A = arith.constant 0 : i32
    %dma_wait3A_7 = arith.constant 0 : i32
    %dma_wait3A_8 = tpu.memref_slice %arg7[%dma_wait3A, %dma_wait3A_7] : memref<1x128xi32, #tpu.memory_space<vmem>> -> memref<1x128xi32, #tpu.memory_space<vmem>>
    %dma_wait3A_9 = tpu.memref_squeeze %dma_wait3A_8 : memref<1x128xi32, #tpu.memory_space<vmem>> -> memref<128xi32, #tpu.memory_space<vmem>>
    %dma_wait3A_10 = arith.constant 0 : i32
    %dma_wait3A_11 = arith.constant 0 : i32
    %dma_wait3A_12 = tpu.memref_slice %arg4[%dma_wait3A_10, %dma_wait3A_11] : memref<1000000x32xf32, #tpu.memory_space<hbm>> -> memref<1000000x32xf32, #tpu.memory_space<hbm>>
    tpu.wait_indirect_dma semaphore(%arg12 : memref<!tpu.dma_semaphore, #tpu.memory_space<semaphore_mem>>) src(%dma_wait3A_12 : memref<1000000x32xf32, #tpu.memory_space<hbm>>) dst(%arg9 : memref<128x32xf32, #tpu.memory_space<vmem>>)
    %mul3A_13 = arith.constant 128 : i32
    %mul3A_14 = arith.muli %add3A, %mul3A_13 : i32
    "tpu.region"() ({
      %run_scoped3A = tpu.sem_alloc : memref<!tpu.dma_semaphore, #tpu.memory_space<semaphore_mem>>
      %dma_start3A_34 = arith.constant 0 : i32
      %dma_start3A_35 = tpu.memref_slice %arg5[%mul3A_14, %dma_start3A_34] : memref<4096x32xf32, #tpu.memory_space<hbm>> -> memref<128x32xf32, #tpu.memory_space<hbm>>
      %dma_start3A_36 = arith.constant 0 : i32
      %dma_start3A_37 = tpu.memref_slice %arg5[%mul3A_14, %dma_start3A_36] : memref<4096x32xf32, #tpu.memory_space<hbm>> -> memref<128x32xf32, #tpu.memory_space<hbm>>
      tpu.enqueue_dma source(%arg9 : memref<128x32xf32, #tpu.memory_space<vmem>>) target(%dma_start3A_37 : memref<128x32xf32, #tpu.memory_space<hbm>>) target_semaphore(%run_scoped3A : memref<!tpu.dma_semaphore, #tpu.memory_space<semaphore_mem>>)
      %dma_wait3A_38 = arith.constant 0 : i32
      %dma_wait3A_39 = tpu.memref_slice %arg5[%mul3A_14, %dma_wait3A_38] : memref<4096x32xf32, #tpu.memory_space<hbm>> -> memref<128x32xf32, #tpu.memory_space<hbm>>
      %dma_wait3A_40 = arith.constant 0 : i32
      %dma_wait3A_41 = tpu.memref_slice %arg5[%mul3A_14, %dma_wait3A_40] : memref<4096x32xf32, #tpu.memory_space<hbm>> -> memref<128x32xf32, #tpu.memory_space<hbm>>
      tpu.wait_dma2 semaphore(%run_scoped3A : memref<!tpu.dma_semaphore, #tpu.memory_space<semaphore_mem>>) src(%arg9 : memref<128x32xf32, #tpu.memory_space<vmem>>) dst(%dma_wait3A_41 : memref<128x32xf32, #tpu.memory_space<hbm>>)
      tpu.yield
    }) : () -> ()
    "tpu.region"() ({
      %run_scoped3A = tpu.sem_alloc : memref<!tpu.dma_semaphore, #tpu.memory_space<semaphore_mem>>
      %dma_start3A_34 = arith.constant 0 : i32
      %dma_start3A_35 = arith.constant 0 : i32
      %dma_start3A_36 = tpu.memref_slice %arg3[%add3A, %dma_start3A_34, %dma_start3A_35] : memref<32x49x128xi32, #tpu.memory_space<hbm>> -> memref<1x49x128xi32, #tpu.memory_space<hbm>>
      %dma_start3A_37 = tpu.memref_squeeze %dma_start3A_36 : memref<1x49x128xi32, #tpu.memory_space<hbm>> -> memref<49x128xi32, #tpu.memory_space<hbm>>
      %dma_start3A_38 = arith.constant 0 : i32
      %dma_start3A_39 = arith.constant 0 : i32
      %dma_start3A_40 = tpu.memref_slice %arg3[%add3A, %dma_start3A_38, %dma_start3A_39] : memref<32x49x128xi32, #tpu.memory_space<hbm>> -> memref<1x49x128xi32, #tpu.memory_space<hbm>>
      %dma_start3A_41 = tpu.memref_squeeze %dma_start3A_40 : memref<1x49x128xi32, #tpu.memory_space<hbm>> -> memref<49x128xi32, #tpu.memory_space<hbm>>
      tpu.enqueue_dma source(%dma_start3A_41 : memref<49x128xi32, #tpu.memory_space<hbm>>) target(%arg8 : memref<49x128xi32, #tpu.memory_space<vmem>>) target_semaphore(%run_scoped3A : memref<!tpu.dma_semaphore, #tpu.memory_space<semaphore_mem>>)
      %dma_wait3A_42 = arith.constant 0 : i32
      %dma_wait3A_43 = arith.constant 0 : i32
      %dma_wait3A_44 = tpu.memref_slice %arg3[%add3A, %dma_wait3A_42, %dma_wait3A_43] : memref<32x49x128xi32, #tpu.memory_space<hbm>> -> memref<1x49x128xi32, #tpu.memory_space<hbm>>
      %dma_wait3A_45 = tpu.memref_squeeze %dma_wait3A_44 : memref<1x49x128xi32, #tpu.memory_space<hbm>> -> memref<49x128xi32, #tpu.memory_space<hbm>>
      %dma_wait3A_46 = arith.constant 0 : i32
      %dma_wait3A_47 = arith.constant 0 : i32
      %dma_wait3A_48 = tpu.memref_slice %arg3[%add3A, %dma_wait3A_46, %dma_wait3A_47] : memref<32x49x128xi32, #tpu.memory_space<hbm>> -> memref<1x49x128xi32, #tpu.memory_space<hbm>>
      %dma_wait3A_49 = tpu.memref_squeeze %dma_wait3A_48 : memref<1x49x128xi32, #tpu.memory_space<hbm>> -> memref<49x128xi32, #tpu.memory_space<hbm>>
      tpu.wait_dma2 semaphore(%run_scoped3A : memref<!tpu.dma_semaphore, #tpu.memory_space<semaphore_mem>>) src(%dma_wait3A_49 : memref<49x128xi32, #tpu.memory_space<hbm>>) dst(%arg8 : memref<49x128xi32, #tpu.memory_space<vmem>>)
      tpu.yield
    }) : () -> ()
    %broadcast_in_dim3A = arith.constant 0.000000e+00 : f32
    %broadcast_in_dim3A_15 = vector.broadcast %broadcast_in_dim3A : f32 to vector<16xf32>
    %scan3A = arith.constant 0 : i32
    %scan3A_16 = arith.constant 7 : i32
    %scan3A_17 = arith.addi %scan3A, %scan3A_16 : i32
    %scan3A_18 = arith.constant 1 : i32
    %scan3A_19:4 = scf.for %scan3A_34 = %scan3A to %scan3A_17 step %scan3A_18 iter_args(%scan3A_35 = %broadcast_in_dim3A_15, %scan3A_36 = %broadcast_in_dim3A_15, %scan3A_37 = %broadcast_in_dim3A_15, %scan3A_38 = %broadcast_in_dim3A_15) -> (vector<16xf32>, vector<16xf32>, vector<16xf32>, vector<16xf32>)  : i32 {
      %mul3A_39 = arith.constant 7 : i32
      %mul3A_40 = arith.muli %scan3A_34, %mul3A_39 : i32
      %add3A_41 = arith.constant 0 : i32
      %add3A_42 = arith.addi %mul3A_40, %add3A_41 : i32
      %dma_start3A_43 = arith.constant 0 : i32
      %dma_start3A_44 = arith.constant 0 : i32
      %dma_start3A_45 = arith.constant 0 : i32
      %dma_start3A_46 = tpu.memref_slice %arg10[%dma_start3A_43, %dma_start3A_44, %dma_start3A_45] : memref<7x128x32xf32, #tpu.memory_space<vmem>> -> memref<1x128x32xf32, #tpu.memory_space<vmem>>
      %dma_start3A_47 = tpu.memref_squeeze %dma_start3A_46 : memref<1x128x32xf32, #tpu.memory_space<vmem>> -> memref<128x32xf32, #tpu.memory_space<vmem>>
      %dma_start3A_48 = arith.constant 0 : i32
      %dma_start3A_49 = tpu.memref_slice %arg8[%add3A_42, %dma_start3A_48] : memref<49x128xi32, #tpu.memory_space<vmem>> -> memref<1x128xi32, #tpu.memory_space<vmem>>
      %dma_start3A_50 = tpu.memref_squeeze %dma_start3A_49 : memref<1x128xi32, #tpu.memory_space<vmem>> -> memref<128xi32, #tpu.memory_space<vmem>>
      %dma_start3A_51 = arith.constant 0 : i32
      %dma_start3A_52 = arith.constant 0 : i32
      %dma_start3A_53 = tpu.memref_slice %arg4[%dma_start3A_51, %dma_start3A_52] : memref<1000000x32xf32, #tpu.memory_space<hbm>> -> memref<1000000x32xf32, #tpu.memory_space<hbm>>
      tpu.enqueue_indirect_dma source(%dma_start3A_53 : memref<1000000x32xf32, #tpu.memory_space<hbm>>) target(%dma_start3A_47 : memref<128x32xf32, #tpu.memory_space<vmem>>) offsets(%dma_start3A_50 : memref<128xi32, #tpu.memory_space<vmem>>) semaphore(%arg13 : memref<!tpu.dma_semaphore, #tpu.memory_space<semaphore_mem>>)
      %mul3A_54 = arith.constant 7 : i32
      %mul3A_55 = arith.muli %scan3A_34, %mul3A_54 : i32
      %add3A_56 = arith.constant 1 : i32
      %add3A_57 = arith.addi %mul3A_55, %add3A_56 : i32
      %dma_start3A_58 = arith.constant 1 : i32
      %dma_start3A_59 = arith.constant 0 : i32
      %dma_start3A_60 = arith.constant 0 : i32
      %dma_start3A_61 = tpu.memref_slice %arg10[%dma_start3A_58, %dma_start3A_59, %dma_start3A_60] : memref<7x128x32xf32, #tpu.memory_space<vmem>> -> memref<1x128x32xf32, #tpu.memory_space<vmem>>
      %dma_start3A_62 = tpu.memref_squeeze %dma_start3A_61 : memref<1x128x32xf32, #tpu.memory_space<vmem>> -> memref<128x32xf32, #tpu.memory_space<vmem>>
      %dma_start3A_63 = arith.constant 0 : i32
      %dma_start3A_64 = tpu.memref_slice %arg8[%add3A_57, %dma_start3A_63] : memref<49x128xi32, #tpu.memory_space<vmem>> -> memref<1x128xi32, #tpu.memory_space<vmem>>
      %dma_start3A_65 = tpu.memref_squeeze %dma_start3A_64 : memref<1x128xi32, #tpu.memory_space<vmem>> -> memref<128xi32, #tpu.memory_space<vmem>>
      %dma_start3A_66 = arith.constant 0 : i32
      %dma_start3A_67 = arith.constant 0 : i32
      %dma_start3A_68 = tpu.memref_slice %arg4[%dma_start3A_66, %dma_start3A_67] : memref<1000000x32xf32, #tpu.memory_space<hbm>> -> memref<1000000x32xf32, #tpu.memory_space<hbm>>
      tpu.enqueue_indirect_dma source(%dma_start3A_68 : memref<1000000x32xf32, #tpu.memory_space<hbm>>) target(%dma_start3A_62 : memref<128x32xf32, #tpu.memory_space<vmem>>) offsets(%dma_start3A_65 : memref<128xi32, #tpu.memory_space<vmem>>) semaphore(%arg13 : memref<!tpu.dma_semaphore, #tpu.memory_space<semaphore_mem>>)
      %mul3A_69 = arith.constant 7 : i32
      %mul3A_70 = arith.muli %scan3A_34, %mul3A_69 : i32
      %add3A_71 = arith.constant 2 : i32
      %add3A_72 = arith.addi %mul3A_70, %add3A_71 : i32
      %dma_start3A_73 = arith.constant 2 : i32
      %dma_start3A_74 = arith.constant 0 : i32
      %dma_start3A_75 = arith.constant 0 : i32
      %dma_start3A_76 = tpu.memref_slice %arg10[%dma_start3A_73, %dma_start3A_74, %dma_start3A_75] : memref<7x128x32xf32, #tpu.memory_space<vmem>> -> memref<1x128x32xf32, #tpu.memory_space<vmem>>
      %dma_start3A_77 = tpu.memref_squeeze %dma_start3A_76 : memref<1x128x32xf32, #tpu.memory_space<vmem>> -> memref<128x32xf32, #tpu.memory_space<vmem>>
      %dma_start3A_78 = arith.constant 0 : i32
      %dma_start3A_79 = tpu.memref_slice %arg8[%add3A_72, %dma_start3A_78] : memref<49x128xi32, #tpu.memory_space<vmem>> -> memref<1x128xi32, #tpu.memory_space<vmem>>
      %dma_start3A_80 = tpu.memref_squeeze %dma_start3A_79 : memref<1x128xi32, #tpu.memory_space<vmem>> -> memref<128xi32, #tpu.memory_space<vmem>>
      %dma_start3A_81 = arith.constant 0 : i32
      %dma_start3A_82 = arith.constant 0 : i32
      %dma_start3A_83 = tpu.memref_slice %arg4[%dma_start3A_81, %dma_start3A_82] : memref<1000000x32xf32, #tpu.memory_space<hbm>> -> memref<1000000x32xf32, #tpu.memory_space<hbm>>
      tpu.enqueue_indirect_dma source(%dma_start3A_83 : memref<1000000x32xf32, #tpu.memory_space<hbm>>) target(%dma_start3A_77 : memref<128x32xf32, #tpu.memory_space<vmem>>) offsets(%dma_start3A_80 : memref<128xi32, #tpu.memory_space<vmem>>) semaphore(%arg13 : memref<!tpu.dma_semaphore, #tpu.memory_space<semaphore_mem>>)
      %mul3A_84 = arith.constant 7 : i32
      %mul3A_85 = arith.muli %scan3A_34, %mul3A_84 : i32
      %add3A_86 = arith.constant 3 : i32
      %add3A_87 = arith.addi %mul3A_85, %add3A_86 : i32
      %dma_start3A_88 = arith.constant 3 : i32
      %dma_start3A_89 = arith.constant 0 : i32
      %dma_start3A_90 = arith.constant 0 : i32
      %dma_start3A_91 = tpu.memref_slice %arg10[%dma_start3A_88, %dma_start3A_89, %dma_start3A_90] : memref<7x128x32xf32, #tpu.memory_space<vmem>> -> memref<1x128x32xf32, #tpu.memory_space<vmem>>
      %dma_start3A_92 = tpu.memref_squeeze %dma_start3A_91 : memref<1x128x32xf32, #tpu.memory_space<vmem>> -> memref<128x32xf32, #tpu.memory_space<vmem>>
      %dma_start3A_93 = arith.constant 0 : i32
      %dma_start3A_94 = tpu.memref_slice %arg8[%add3A_87, %dma_start3A_93] : memref<49x128xi32, #tpu.memory_space<vmem>> -> memref<1x128xi32, #tpu.memory_space<vmem>>
      %dma_start3A_95 = tpu.memref_squeeze %dma_start3A_94 : memref<1x128xi32, #tpu.memory_space<vmem>> -> memref<128xi32, #tpu.memory_space<vmem>>
      %dma_start3A_96 = arith.constant 0 : i32
      %dma_start3A_97 = arith.constant 0 : i32
      %dma_start3A_98 = tpu.memref_slice %arg4[%dma_start3A_96, %dma_start3A_97] : memref<1000000x32xf32, #tpu.memory_space<hbm>> -> memref<1000000x32xf32, #tpu.memory_space<hbm>>
      tpu.enqueue_indirect_dma source(%dma_start3A_98 : memref<1000000x32xf32, #tpu.memory_space<hbm>>) target(%dma_start3A_92 : memref<128x32xf32, #tpu.memory_space<vmem>>) offsets(%dma_start3A_95 : memref<128xi32, #tpu.memory_space<vmem>>) semaphore(%arg13 : memref<!tpu.dma_semaphore, #tpu.memory_space<semaphore_mem>>)
      %mul3A_99 = arith.constant 7 : i32
      %mul3A_100 = arith.muli %scan3A_34, %mul3A_99 : i32
      %add3A_101 = arith.constant 4 : i32
      %add3A_102 = arith.addi %mul3A_100, %add3A_101 : i32
      %dma_start3A_103 = arith.constant 4 : i32
      %dma_start3A_104 = arith.constant 0 : i32
      %dma_start3A_105 = arith.constant 0 : i32
      %dma_start3A_106 = tpu.memref_slice %arg10[%dma_start3A_103, %dma_start3A_104, %dma_start3A_105] : memref<7x128x32xf32, #tpu.memory_space<vmem>> -> memref<1x128x32xf32, #tpu.memory_space<vmem>>
      %dma_start3A_107 = tpu.memref_squeeze %dma_start3A_106 : memref<1x128x32xf32, #tpu.memory_space<vmem>> -> memref<128x32xf32, #tpu.memory_space<vmem>>
      %dma_start3A_108 = arith.constant 0 : i32
      %dma_start3A_109 = tpu.memref_slice %arg8[%add3A_102, %dma_start3A_108] : memref<49x128xi32, #tpu.memory_space<vmem>> -> memref<1x128xi32, #tpu.memory_space<vmem>>
      %dma_start3A_110 = tpu.memref_squeeze %dma_start3A_109 : memref<1x128xi32, #tpu.memory_space<vmem>> -> memref<128xi32, #tpu.memory_space<vmem>>
      %dma_start3A_111 = arith.constant 0 : i32
      %dma_start3A_112 = arith.constant 0 : i32
      %dma_start3A_113 = tpu.memref_slice %arg4[%dma_start3A_111, %dma_start3A_112] : memref<1000000x32xf32, #tpu.memory_space<hbm>> -> memref<1000000x32xf32, #tpu.memory_space<hbm>>
      tpu.enqueue_indirect_dma source(%dma_start3A_113 : memref<1000000x32xf32, #tpu.memory_space<hbm>>) target(%dma_start3A_107 : memref<128x32xf32, #tpu.memory_space<vmem>>) offsets(%dma_start3A_110 : memref<128xi32, #tpu.memory_space<vmem>>) semaphore(%arg13 : memref<!tpu.dma_semaphore, #tpu.memory_space<semaphore_mem>>)
      %mul3A_114 = arith.constant 7 : i32
      %mul3A_115 = arith.muli %scan3A_34, %mul3A_114 : i32
      %add3A_116 = arith.constant 5 : i32
      %add3A_117 = arith.addi %mul3A_115, %add3A_116 : i32
      %dma_start3A_118 = arith.constant 5 : i32
      %dma_start3A_119 = arith.constant 0 : i32
      %dma_start3A_120 = arith.constant 0 : i32
      %dma_start3A_121 = tpu.memref_slice %arg10[%dma_start3A_118, %dma_start3A_119, %dma_start3A_120] : memref<7x128x32xf32, #tpu.memory_space<vmem>> -> memref<1x128x32xf32, #tpu.memory_space<vmem>>
      %dma_start3A_122 = tpu.memref_squeeze %dma_start3A_121 : memref<1x128x32xf32, #tpu.memory_space<vmem>> -> memref<128x32xf32, #tpu.memory_space<vmem>>
      %dma_start3A_123 = arith.constant 0 : i32
      %dma_start3A_124 = tpu.memref_slice %arg8[%add3A_117, %dma_start3A_123] : memref<49x128xi32, #tpu.memory_space<vmem>> -> memref<1x128xi32, #tpu.memory_space<vmem>>
      %dma_start3A_125 = tpu.memref_squeeze %dma_start3A_124 : memref<1x128xi32, #tpu.memory_space<vmem>> -> memref<128xi32, #tpu.memory_space<vmem>>
      %dma_start3A_126 = arith.constant 0 : i32
      %dma_start3A_127 = arith.constant 0 : i32
      %dma_start3A_128 = tpu.memref_slice %arg4[%dma_start3A_126, %dma_start3A_127] : memref<1000000x32xf32, #tpu.memory_space<hbm>> -> memref<1000000x32xf32, #tpu.memory_space<hbm>>
      tpu.enqueue_indirect_dma source(%dma_start3A_128 : memref<1000000x32xf32, #tpu.memory_space<hbm>>) target(%dma_start3A_122 : memref<128x32xf32, #tpu.memory_space<vmem>>) offsets(%dma_start3A_125 : memref<128xi32, #tpu.memory_space<vmem>>) semaphore(%arg13 : memref<!tpu.dma_semaphore, #tpu.memory_space<semaphore_mem>>)
      %mul3A_129 = arith.constant 7 : i32
      %mul3A_130 = arith.muli %scan3A_34, %mul3A_129 : i32
      %add3A_131 = arith.constant 6 : i32
      %add3A_132 = arith.addi %mul3A_130, %add3A_131 : i32
      %dma_start3A_133 = arith.constant 6 : i32
      %dma_start3A_134 = arith.constant 0 : i32
      %dma_start3A_135 = arith.constant 0 : i32
      %dma_start3A_136 = tpu.memref_slice %arg10[%dma_start3A_133, %dma_start3A_134, %dma_start3A_135] : memref<7x128x32xf32, #tpu.memory_space<vmem>> -> memref<1x128x32xf32, #tpu.memory_space<vmem>>
      %dma_start3A_137 = tpu.memref_squeeze %dma_start3A_136 : memref<1x128x32xf32, #tpu.memory_space<vmem>> -> memref<128x32xf32, #tpu.memory_space<vmem>>
      %dma_start3A_138 = arith.constant 0 : i32
      %dma_start3A_139 = tpu.memref_slice %arg8[%add3A_132, %dma_start3A_138] : memref<49x128xi32, #tpu.memory_space<vmem>> -> memref<1x128xi32, #tpu.memory_space<vmem>>
      %dma_start3A_140 = tpu.memref_squeeze %dma_start3A_139 : memref<1x128xi32, #tpu.memory_space<vmem>> -> memref<128xi32, #tpu.memory_space<vmem>>
      %dma_start3A_141 = arith.constant 0 : i32
      %dma_start3A_142 = arith.constant 0 : i32
      %dma_start3A_143 = tpu.memref_slice %arg4[%dma_start3A_141, %dma_start3A_142] : memref<1000000x32xf32, #tpu.memory_space<hbm>> -> memref<1000000x32xf32, #tpu.memory_space<hbm>>
      tpu.enqueue_indirect_dma source(%dma_start3A_143 : memref<1000000x32xf32, #tpu.memory_space<hbm>>) target(%dma_start3A_137 : memref<128x32xf32, #tpu.memory_space<vmem>>) offsets(%dma_start3A_140 : memref<128xi32, #tpu.memory_space<vmem>>) semaphore(%arg13 : memref<!tpu.dma_semaphore, #tpu.memory_space<semaphore_mem>>)
      %dma_wait3A_144 = arith.constant 0 : i32
      %dma_wait3A_145 = arith.constant 0 : i32
      %dma_wait3A_146 = arith.constant 0 : i32
      %dma_wait3A_147 = tpu.memref_slice %arg10[%dma_wait3A_144, %dma_wait3A_145, %dma_wait3A_146] : memref<7x128x32xf32, #tpu.memory_space<vmem>> -> memref<1x128x32xf32, #tpu.memory_space<vmem>>
      %dma_wait3A_148 = tpu.memref_squeeze %dma_wait3A_147 : memref<1x128x32xf32, #tpu.memory_space<vmem>> -> memref<128x32xf32, #tpu.memory_space<vmem>>
      %dma_wait3A_149 = arith.constant 0 : i32
      %dma_wait3A_150 = tpu.memref_slice %arg8[%add3A_42, %dma_wait3A_149] : memref<49x128xi32, #tpu.memory_space<vmem>> -> memref<1x128xi32, #tpu.memory_space<vmem>>
      %dma_wait3A_151 = tpu.memref_squeeze %dma_wait3A_150 : memref<1x128xi32, #tpu.memory_space<vmem>> -> memref<128xi32, #tpu.memory_space<vmem>>
      %dma_wait3A_152 = arith.constant 0 : i32
      %dma_wait3A_153 = arith.constant 0 : i32
      %dma_wait3A_154 = tpu.memref_slice %arg4[%dma_wait3A_152, %dma_wait3A_153] : memref<1000000x32xf32, #tpu.memory_space<hbm>> -> memref<1000000x32xf32, #tpu.memory_space<hbm>>
      tpu.wait_indirect_dma semaphore(%arg13 : memref<!tpu.dma_semaphore, #tpu.memory_space<semaphore_mem>>) src(%dma_wait3A_154 : memref<1000000x32xf32, #tpu.memory_space<hbm>>) dst(%dma_wait3A_148 : memref<128x32xf32, #tpu.memory_space<vmem>>)
      %dma_wait3A_155 = arith.constant 1 : i32
      %dma_wait3A_156 = arith.constant 0 : i32
      %dma_wait3A_157 = arith.constant 0 : i32
      %dma_wait3A_158 = tpu.memref_slice %arg10[%dma_wait3A_155, %dma_wait3A_156, %dma_wait3A_157] : memref<7x128x32xf32, #tpu.memory_space<vmem>> -> memref<1x128x32xf32, #tpu.memory_space<vmem>>
      %dma_wait3A_159 = tpu.memref_squeeze %dma_wait3A_158 : memref<1x128x32xf32, #tpu.memory_space<vmem>> -> memref<128x32xf32, #tpu.memory_space<vmem>>
      %dma_wait3A_160 = arith.constant 0 : i32
      %dma_wait3A_161 = tpu.memref_slice %arg8[%add3A_57, %dma_wait3A_160] : memref<49x128xi32, #tpu.memory_space<vmem>> -> memref<1x128xi32, #tpu.memory_space<vmem>>
      %dma_wait3A_162 = tpu.memref_squeeze %dma_wait3A_161 : memref<1x128xi32, #tpu.memory_space<vmem>> -> memref<128xi32, #tpu.memory_space<vmem>>
      %dma_wait3A_163 = arith.constant 0 : i32
      %dma_wait3A_164 = arith.constant 0 : i32
      %dma_wait3A_165 = tpu.memref_slice %arg4[%dma_wait3A_163, %dma_wait3A_164] : memref<1000000x32xf32, #tpu.memory_space<hbm>> -> memref<1000000x32xf32, #tpu.memory_space<hbm>>
      tpu.wait_indirect_dma semaphore(%arg13 : memref<!tpu.dma_semaphore, #tpu.memory_space<semaphore_mem>>) src(%dma_wait3A_165 : memref<1000000x32xf32, #tpu.memory_space<hbm>>) dst(%dma_wait3A_159 : memref<128x32xf32, #tpu.memory_space<vmem>>)
      %dma_wait3A_166 = arith.constant 2 : i32
      %dma_wait3A_167 = arith.constant 0 : i32
      %dma_wait3A_168 = arith.constant 0 : i32
      %dma_wait3A_169 = tpu.memref_slice %arg10[%dma_wait3A_166, %dma_wait3A_167, %dma_wait3A_168] : memref<7x128x32xf32, #tpu.memory_space<vmem>> -> memref<1x128x32xf32, #tpu.memory_space<vmem>>
      %dma_wait3A_170 = tpu.memref_squeeze %dma_wait3A_169 : memref<1x128x32xf32, #tpu.memory_space<vmem>> -> memref<128x32xf32, #tpu.memory_space<vmem>>
      %dma_wait3A_171 = arith.constant 0 : i32
      %dma_wait3A_172 = tpu.memref_slice %arg8[%add3A_72, %dma_wait3A_171] : memref<49x128xi32, #tpu.memory_space<vmem>> -> memref<1x128xi32, #tpu.memory_space<vmem>>
      %dma_wait3A_173 = tpu.memref_squeeze %dma_wait3A_172 : memref<1x128xi32, #tpu.memory_space<vmem>> -> memref<128xi32, #tpu.memory_space<vmem>>
      %dma_wait3A_174 = arith.constant 0 : i32
      %dma_wait3A_175 = arith.constant 0 : i32
      %dma_wait3A_176 = tpu.memref_slice %arg4[%dma_wait3A_174, %dma_wait3A_175] : memref<1000000x32xf32, #tpu.memory_space<hbm>> -> memref<1000000x32xf32, #tpu.memory_space<hbm>>
      tpu.wait_indirect_dma semaphore(%arg13 : memref<!tpu.dma_semaphore, #tpu.memory_space<semaphore_mem>>) src(%dma_wait3A_176 : memref<1000000x32xf32, #tpu.memory_space<hbm>>) dst(%dma_wait3A_170 : memref<128x32xf32, #tpu.memory_space<vmem>>)
      %dma_wait3A_177 = arith.constant 3 : i32
      %dma_wait3A_178 = arith.constant 0 : i32
      %dma_wait3A_179 = arith.constant 0 : i32
      %dma_wait3A_180 = tpu.memref_slice %arg10[%dma_wait3A_177, %dma_wait3A_178, %dma_wait3A_179] : memref<7x128x32xf32, #tpu.memory_space<vmem>> -> memref<1x128x32xf32, #tpu.memory_space<vmem>>
      %dma_wait3A_181 = tpu.memref_squeeze %dma_wait3A_180 : memref<1x128x32xf32, #tpu.memory_space<vmem>> -> memref<128x32xf32, #tpu.memory_space<vmem>>
      %dma_wait3A_182 = arith.constant 0 : i32
      %dma_wait3A_183 = tpu.memref_slice %arg8[%add3A_87, %dma_wait3A_182] : memref<49x128xi32, #tpu.memory_space<vmem>> -> memref<1x128xi32, #tpu.memory_space<vmem>>
      %dma_wait3A_184 = tpu.memref_squeeze %dma_wait3A_183 : memref<1x128xi32, #tpu.memory_space<vmem>> -> memref<128xi32, #tpu.memory_space<vmem>>
      %dma_wait3A_185 = arith.constant 0 : i32
      %dma_wait3A_186 = arith.constant 0 : i32
      %dma_wait3A_187 = tpu.memref_slice %arg4[%dma_wait3A_185, %dma_wait3A_186] : memref<1000000x32xf32, #tpu.memory_space<hbm>> -> memref<1000000x32xf32, #tpu.memory_space<hbm>>
      tpu.wait_indirect_dma semaphore(%arg13 : memref<!tpu.dma_semaphore, #tpu.memory_space<semaphore_mem>>) src(%dma_wait3A_187 : memref<1000000x32xf32, #tpu.memory_space<hbm>>) dst(%dma_wait3A_181 : memref<128x32xf32, #tpu.memory_space<vmem>>)
      %dma_wait3A_188 = arith.constant 4 : i32
      %dma_wait3A_189 = arith.constant 0 : i32
      %dma_wait3A_190 = arith.constant 0 : i32
      %dma_wait3A_191 = tpu.memref_slice %arg10[%dma_wait3A_188, %dma_wait3A_189, %dma_wait3A_190] : memref<7x128x32xf32, #tpu.memory_space<vmem>> -> memref<1x128x32xf32, #tpu.memory_space<vmem>>
      %dma_wait3A_192 = tpu.memref_squeeze %dma_wait3A_191 : memref<1x128x32xf32, #tpu.memory_space<vmem>> -> memref<128x32xf32, #tpu.memory_space<vmem>>
      %dma_wait3A_193 = arith.constant 0 : i32
      %dma_wait3A_194 = tpu.memref_slice %arg8[%add3A_102, %dma_wait3A_193] : memref<49x128xi32, #tpu.memory_space<vmem>> -> memref<1x128xi32, #tpu.memory_space<vmem>>
      %dma_wait3A_195 = tpu.memref_squeeze %dma_wait3A_194 : memref<1x128xi32, #tpu.memory_space<vmem>> -> memref<128xi32, #tpu.memory_space<vmem>>
      %dma_wait3A_196 = arith.constant 0 : i32
      %dma_wait3A_197 = arith.constant 0 : i32
      %dma_wait3A_198 = tpu.memref_slice %arg4[%dma_wait3A_196, %dma_wait3A_197] : memref<1000000x32xf32, #tpu.memory_space<hbm>> -> memref<1000000x32xf32, #tpu.memory_space<hbm>>
      tpu.wait_indirect_dma semaphore(%arg13 : memref<!tpu.dma_semaphore, #tpu.memory_space<semaphore_mem>>) src(%dma_wait3A_198 : memref<1000000x32xf32, #tpu.memory_space<hbm>>) dst(%dma_wait3A_192 : memref<128x32xf32, #tpu.memory_space<vmem>>)
      %dma_wait3A_199 = arith.constant 5 : i32
      %dma_wait3A_200 = arith.constant 0 : i32
      %dma_wait3A_201 = arith.constant 0 : i32
      %dma_wait3A_202 = tpu.memref_slice %arg10[%dma_wait3A_199, %dma_wait3A_200, %dma_wait3A_201] : memref<7x128x32xf32, #tpu.memory_space<vmem>> -> memref<1x128x32xf32, #tpu.memory_space<vmem>>
      %dma_wait3A_203 = tpu.memref_squeeze %dma_wait3A_202 : memref<1x128x32xf32, #tpu.memory_space<vmem>> -> memref<128x32xf32, #tpu.memory_space<vmem>>
      %dma_wait3A_204 = arith.constant 0 : i32
      %dma_wait3A_205 = tpu.memref_slice %arg8[%add3A_117, %dma_wait3A_204] : memref<49x128xi32, #tpu.memory_space<vmem>> -> memref<1x128xi32, #tpu.memory_space<vmem>>
      %dma_wait3A_206 = tpu.memref_squeeze %dma_wait3A_205 : memref<1x128xi32, #tpu.memory_space<vmem>> -> memref<128xi32, #tpu.memory_space<vmem>>
      %dma_wait3A_207 = arith.constant 0 : i32
      %dma_wait3A_208 = arith.constant 0 : i32
      %dma_wait3A_209 = tpu.memref_slice %arg4[%dma_wait3A_207, %dma_wait3A_208] : memref<1000000x32xf32, #tpu.memory_space<hbm>> -> memref<1000000x32xf32, #tpu.memory_space<hbm>>
      tpu.wait_indirect_dma semaphore(%arg13 : memref<!tpu.dma_semaphore, #tpu.memory_space<semaphore_mem>>) src(%dma_wait3A_209 : memref<1000000x32xf32, #tpu.memory_space<hbm>>) dst(%dma_wait3A_203 : memref<128x32xf32, #tpu.memory_space<vmem>>)
      %dma_wait3A_210 = arith.constant 6 : i32
      %dma_wait3A_211 = arith.constant 0 : i32
      %dma_wait3A_212 = arith.constant 0 : i32
      %dma_wait3A_213 = tpu.memref_slice %arg10[%dma_wait3A_210, %dma_wait3A_211, %dma_wait3A_212] : memref<7x128x32xf32, #tpu.memory_space<vmem>> -> memref<1x128x32xf32, #tpu.memory_space<vmem>>
      %dma_wait3A_214 = tpu.memref_squeeze %dma_wait3A_213 : memref<1x128x32xf32, #tpu.memory_space<vmem>> -> memref<128x32xf32, #tpu.memory_space<vmem>>
      %dma_wait3A_215 = arith.constant 0 : i32
      %dma_wait3A_216 = tpu.memref_slice %arg8[%add3A_132, %dma_wait3A_215] : memref<49x128xi32, #tpu.memory_space<vmem>> -> memref<1x128xi32, #tpu.memory_space<vmem>>
      %dma_wait3A_217 = tpu.memref_squeeze %dma_wait3A_216 : memref<1x128xi32, #tpu.memory_space<vmem>> -> memref<128xi32, #tpu.memory_space<vmem>>
      %dma_wait3A_218 = arith.constant 0 : i32
      %dma_wait3A_219 = arith.constant 0 : i32
      %dma_wait3A_220 = tpu.memref_slice %arg4[%dma_wait3A_218, %dma_wait3A_219] : memref<1000000x32xf32, #tpu.memory_space<hbm>> -> memref<1000000x32xf32, #tpu.memory_space<hbm>>
      tpu.wait_indirect_dma semaphore(%arg13 : memref<!tpu.dma_semaphore, #tpu.memory_space<semaphore_mem>>) src(%dma_wait3A_220 : memref<1000000x32xf32, #tpu.memory_space<hbm>>) dst(%dma_wait3A_214 : memref<128x32xf32, #tpu.memory_space<vmem>>)
      %scan3A_221 = arith.constant 0 : i32
      %scan3A_222 = arith.constant 64 : i32
      %scan3A_223 = arith.addi %scan3A_221, %scan3A_222 : i32
      %scan3A_224 = arith.constant 1 : i32
      %scan3A_225:4 = scf.for %scan3A_263 = %scan3A_221 to %scan3A_223 step %scan3A_224 iter_args(%scan3A_264 = %scan3A_35, %scan3A_265 = %scan3A_36, %scan3A_266 = %scan3A_37, %scan3A_267 = %scan3A_38) -> (vector<16xf32>, vector<16xf32>, vector<16xf32>, vector<16xf32>)  : i32 {
        %mul3A_268 = arith.constant 2 : i32
        %mul3A_269 = arith.muli %scan3A_263, %mul3A_268 : i32
        %get3A = arith.constant 0 : i32
        %get3A_270 = arith.index_cast %get3A : i32 to index
        %get3A_271 = arith.index_cast %mul3A_269 : i32 to index
        %get3A_272 = arith.constant 0 : index
        %get3A_273 = tpu.vector_load %arg10[%get3A_270, %get3A_271, %get3A_272] {strides = array<i32>} : memref<7x128x32xf32, #tpu.memory_space<vmem>>, vector<1x1x16xf32>,
        %get3A_274 = vector.shape_cast %get3A_273 : vector<1x1x16xf32> to vector<16xf32>
        %add3A_275 = arith.addf %scan3A_264, %get3A_274 : vector<16xf32>
        %get3A_276 = arith.constant 0 : i32
        %get3A_277 = arith.index_cast %get3A_276 : i32 to index
        %get3A_278 = arith.index_cast %mul3A_269 : i32 to index
        %get3A_279 = arith.constant 16 : index
        %get3A_280 = tpu.vector_load %arg10[%get3A_277, %get3A_278, %get3A_279] {strides = array<i32>} : memref<7x128x32xf32, #tpu.memory_space<vmem>>, vector<1x1x16xf32>,
        %get3A_281 = vector.shape_cast %get3A_280 : vector<1x1x16xf32> to vector<16xf32>
        %add3A_282 = arith.addf %scan3A_265, %get3A_281 : vector<16xf32>
        %add3A_283 = arith.constant 1 : i32
        %add3A_284 = arith.addi %mul3A_269, %add3A_283 : i32
        %get3A_285 = arith.constant 0 : i32
        %get3A_286 = arith.index_cast %get3A_285 : i32 to index
        %get3A_287 = arith.index_cast %add3A_284 : i32 to index
        %get3A_288 = arith.constant 0 : index
        %get3A_289 = tpu.vector_load %arg10[%get3A_286, %get3A_287, %get3A_288] {strides = array<i32>} : memref<7x128x32xf32, #tpu.memory_space<vmem>>, vector<1x1x16xf32>,
        %get3A_290 = vector.shape_cast %get3A_289 : vector<1x1x16xf32> to vector<16xf32>
        %add3A_291 = arith.addf %scan3A_266, %get3A_290 : vector<16xf32>
        %add3A_292 = arith.constant 1 : i32
        %add3A_293 = arith.addi %mul3A_269, %add3A_292 : i32
        %get3A_294 = arith.constant 0 : i32
        %get3A_295 = arith.index_cast %get3A_294 : i32 to index
        %get3A_296 = arith.index_cast %add3A_293 : i32 to index
        %get3A_297 = arith.constant 16 : index
        %get3A_298 = tpu.vector_load %arg10[%get3A_295, %get3A_296, %get3A_297] {strides = array<i32>} : memref<7x128x32xf32, #tpu.memory_space<vmem>>, vector<1x1x16xf32>,
        %get3A_299 = vector.shape_cast %get3A_298 : vector<1x1x16xf32> to vector<16xf32>
        %add3A_300 = arith.addf %scan3A_267, %get3A_299 : vector<16xf32>
        scf.yield %add3A_275, %add3A_282, %add3A_291, %add3A_300 : vector<16xf32>, vector<16xf32>, vector<16xf32>, vector<16xf32>
      }
      %scan3A_226 = arith.constant 64 : i32
      %scan3A_227 = arith.constant 0 : i32
      %scan3A_228 = arith.constant 64 : i32
      %scan3A_229 = arith.addi %scan3A_227, %scan3A_228 : i32
      %scan3A_230 = arith.constant 1 : i32
      %scan3A_231:4 = scf.for %scan3A_263 = %scan3A_227 to %scan3A_229 step %scan3A_230 iter_args(%scan3A_264 = %scan3A_225#0, %scan3A_265 = %scan3A_225#1, %scan3A_266 = %scan3A_225#2, %scan3A_267 = %scan3A_225#3) -> (vector<16xf32>, vector<16xf32>, vector<16xf32>, vector<16xf32>)  : i32 {
        %mul3A_268 = arith.constant 2 : i32
        %mul3A_269 = arith.muli %scan3A_263, %mul3A_268 : i32
        %get3A = arith.constant 1 : i32
        %get3A_270 = arith.index_cast %get3A : i32 to index
        %get3A_271 = arith.index_cast %mul3A_269 : i32 to index
        %get3A_272 = arith.constant 0 : index
        %get3A_273 = tpu.vector_load %arg10[%get3A_270, %get3A_271, %get3A_272] {strides = array<i32>} : memref<7x128x32xf32, #tpu.memory_space<vmem>>, vector<1x1x16xf32>,
        %get3A_274 = vector.shape_cast %get3A_273 : vector<1x1x16xf32> to vector<16xf32>
        %add3A_275 = arith.addf %scan3A_264, %get3A_274 : vector<16xf32>
        %get3A_276 = arith.constant 1 : i32
        %get3A_277 = arith.index_cast %get3A_276 : i32 to index
        %get3A_278 = arith.index_cast %mul3A_269 : i32 to index
        %get3A_279 = arith.constant 16 : index
        %get3A_280 = tpu.vector_load %arg10[%get3A_277, %get3A_278, %get3A_279] {strides = array<i32>} : memref<7x128x32xf32, #tpu.memory_space<vmem>>, vector<1x1x16xf32>,
        %get3A_281 = vector.shape_cast %get3A_280 : vector<1x1x16xf32> to vector<16xf32>
        %add3A_282 = arith.addf %scan3A_265, %get3A_281 : vector<16xf32>
        %add3A_283 = arith.constant 1 : i32
        %add3A_284 = arith.addi %mul3A_269, %add3A_283 : i32
        %get3A_285 = arith.constant 1 : i32
        %get3A_286 = arith.index_cast %get3A_285 : i32 to index
        %get3A_287 = arith.index_cast %add3A_284 : i32 to index
        %get3A_288 = arith.constant 0 : index
        %get3A_289 = tpu.vector_load %arg10[%get3A_286, %get3A_287, %get3A_288] {strides = array<i32>} : memref<7x128x32xf32, #tpu.memory_space<vmem>>, vector<1x1x16xf32>,
        %get3A_290 = vector.shape_cast %get3A_289 : vector<1x1x16xf32> to vector<16xf32>
        %add3A_291 = arith.addf %scan3A_266, %get3A_290 : vector<16xf32>
        %add3A_292 = arith.constant 1 : i32
        %add3A_293 = arith.addi %mul3A_269, %add3A_292 : i32
        %get3A_294 = arith.constant 1 : i32
        %get3A_295 = arith.index_cast %get3A_294 : i32 to index
        %get3A_296 = arith.index_cast %add3A_293 : i32 to index
        %get3A_297 = arith.constant 16 : index
        %get3A_298 = tpu.vector_load %arg10[%get3A_295, %get3A_296, %get3A_297] {strides = array<i32>} : memref<7x128x32xf32, #tpu.memory_space<vmem>>, vector<1x1x16xf32>,
        %get3A_299 = vector.shape_cast %get3A_298 : vector<1x1x16xf32> to vector<16xf32>
        %add3A_300 = arith.addf %scan3A_267, %get3A_299 : vector<16xf32>
        scf.yield %add3A_275, %add3A_282, %add3A_291, %add3A_300 : vector<16xf32>, vector<16xf32>, vector<16xf32>, vector<16xf32>
      }
      %scan3A_232 = arith.constant 64 : i32
      %scan3A_233 = arith.constant 0 : i32
      %scan3A_234 = arith.constant 64 : i32
      %scan3A_235 = arith.addi %scan3A_233, %scan3A_234 : i32
      %scan3A_236 = arith.constant 1 : i32
      %scan3A_237:4 = scf.for %scan3A_263 = %scan3A_233 to %scan3A_235 step %scan3A_236 iter_args(%scan3A_264 = %scan3A_231#0, %scan3A_265 = %scan3A_231#1, %scan3A_266 = %scan3A_231#2, %scan3A_267 = %scan3A_231#3) -> (vector<16xf32>, vector<16xf32>, vector<16xf32>, vector<16xf32>)  : i32 {
        %mul3A_268 = arith.constant 2 : i32
        %mul3A_269 = arith.muli %scan3A_263, %mul3A_268 : i32
        %get3A = arith.constant 2 : i32
        %get3A_270 = arith.index_cast %get3A : i32 to index
        %get3A_271 = arith.index_cast %mul3A_269 : i32 to index
        %get3A_272 = arith.constant 0 : index
        %get3A_273 = tpu.vector_load %arg10[%get3A_270, %get3A_271, %get3A_272] {strides = array<i32>} : memref<7x128x32xf32, #tpu.memory_space<vmem>>, vector<1x1x16xf32>,
        %get3A_274 = vector.shape_cast %get3A_273 : vector<1x1x16xf32> to vector<16xf32>
        %add3A_275 = arith.addf %scan3A_264, %get3A_274 : vector<16xf32>
        %get3A_276 = arith.constant 2 : i32
        %get3A_277 = arith.index_cast %get3A_276 : i32 to index
        %get3A_278 = arith.index_cast %mul3A_269 : i32 to index
        %get3A_279 = arith.constant 16 : index
        %get3A_280 = tpu.vector_load %arg10[%get3A_277, %get3A_278, %get3A_279] {strides = array<i32>} : memref<7x128x32xf32, #tpu.memory_space<vmem>>, vector<1x1x16xf32>,
        %get3A_281 = vector.shape_cast %get3A_280 : vector<1x1x16xf32> to vector<16xf32>
        %add3A_282 = arith.addf %scan3A_265, %get3A_281 : vector<16xf32>
        %add3A_283 = arith.constant 1 : i32
        %add3A_284 = arith.addi %mul3A_269, %add3A_283 : i32
        %get3A_285 = arith.constant 2 : i32
        %get3A_286 = arith.index_cast %get3A_285 : i32 to index
        %get3A_287 = arith.index_cast %add3A_284 : i32 to index
        %get3A_288 = arith.constant 0 : index
        %get3A_289 = tpu.vector_load %arg10[%get3A_286, %get3A_287, %get3A_288] {strides = array<i32>} : memref<7x128x32xf32, #tpu.memory_space<vmem>>, vector<1x1x16xf32>,
        %get3A_290 = vector.shape_cast %get3A_289 : vector<1x1x16xf32> to vector<16xf32>
        %add3A_291 = arith.addf %scan3A_266, %get3A_290 : vector<16xf32>
        %add3A_292 = arith.constant 1 : i32
        %add3A_293 = arith.addi %mul3A_269, %add3A_292 : i32
        %get3A_294 = arith.constant 2 : i32
        %get3A_295 = arith.index_cast %get3A_294 : i32 to index
        %get3A_296 = arith.index_cast %add3A_293 : i32 to index
        %get3A_297 = arith.constant 16 : index
        %get3A_298 = tpu.vector_load %arg10[%get3A_295, %get3A_296, %get3A_297] {strides = array<i32>} : memref<7x128x32xf32, #tpu.memory_space<vmem>>, vector<1x1x16xf32>,
        %get3A_299 = vector.shape_cast %get3A_298 : vector<1x1x16xf32> to vector<16xf32>
        %add3A_300 = arith.addf %scan3A_267, %get3A_299 : vector<16xf32>
        scf.yield %add3A_275, %add3A_282, %add3A_291, %add3A_300 : vector<16xf32>, vector<16xf32>, vector<16xf32>, vector<16xf32>
      }
      %scan3A_238 = arith.constant 64 : i32
      %scan3A_239 = arith.constant 0 : i32
      %scan3A_240 = arith.constant 64 : i32
      %scan3A_241 = arith.addi %scan3A_239, %scan3A_240 : i32
      %scan3A_242 = arith.constant 1 : i32
      %scan3A_243:4 = scf.for %scan3A_263 = %scan3A_239 to %scan3A_241 step %scan3A_242 iter_args(%scan3A_264 = %scan3A_237#0, %scan3A_265 = %scan3A_237#1, %scan3A_266 = %scan3A_237#2, %scan3A_267 = %scan3A_237#3) -> (vector<16xf32>, vector<16xf32>, vector<16xf32>, vector<16xf32>)  : i32 {
        %mul3A_268 = arith.constant 2 : i32
        %mul3A_269 = arith.muli %scan3A_263, %mul3A_268 : i32
        %get3A = arith.constant 3 : i32
        %get3A_270 = arith.index_cast %get3A : i32 to index
        %get3A_271 = arith.index_cast %mul3A_269 : i32 to index
        %get3A_272 = arith.constant 0 : index
        %get3A_273 = tpu.vector_load %arg10[%get3A_270, %get3A_271, %get3A_272] {strides = array<i32>} : memref<7x128x32xf32, #tpu.memory_space<vmem>>, vector<1x1x16xf32>,
        %get3A_274 = vector.shape_cast %get3A_273 : vector<1x1x16xf32> to vector<16xf32>
        %add3A_275 = arith.addf %scan3A_264, %get3A_274 : vector<16xf32>
        %get3A_276 = arith.constant 3 : i32
        %get3A_277 = arith.index_cast %get3A_276 : i32 to index
        %get3A_278 = arith.index_cast %mul3A_269 : i32 to index
        %get3A_279 = arith.constant 16 : index
        %get3A_280 = tpu.vector_load %arg10[%get3A_277, %get3A_278, %get3A_279] {strides = array<i32>} : memref<7x128x32xf32, #tpu.memory_space<vmem>>, vector<1x1x16xf32>,
        %get3A_281 = vector.shape_cast %get3A_280 : vector<1x1x16xf32> to vector<16xf32>
        %add3A_282 = arith.addf %scan3A_265, %get3A_281 : vector<16xf32>
        %add3A_283 = arith.constant 1 : i32
        %add3A_284 = arith.addi %mul3A_269, %add3A_283 : i32
        %get3A_285 = arith.constant 3 : i32
        %get3A_286 = arith.index_cast %get3A_285 : i32 to index
        %get3A_287 = arith.index_cast %add3A_284 : i32 to index
        %get3A_288 = arith.constant 0 : index
        %get3A_289 = tpu.vector_load %arg10[%get3A_286, %get3A_287, %get3A_288] {strides = array<i32>} : memref<7x128x32xf32, #tpu.memory_space<vmem>>, vector<1x1x16xf32>,
        %get3A_290 = vector.shape_cast %get3A_289 : vector<1x1x16xf32> to vector<16xf32>
        %add3A_291 = arith.addf %scan3A_266, %get3A_290 : vector<16xf32>
        %add3A_292 = arith.constant 1 : i32
        %add3A_293 = arith.addi %mul3A_269, %add3A_292 : i32
        %get3A_294 = arith.constant 3 : i32
        %get3A_295 = arith.index_cast %get3A_294 : i32 to index
        %get3A_296 = arith.index_cast %add3A_293 : i32 to index
        %get3A_297 = arith.constant 16 : index
        %get3A_298 = tpu.vector_load %arg10[%get3A_295, %get3A_296, %get3A_297] {strides = array<i32>} : memref<7x128x32xf32, #tpu.memory_space<vmem>>, vector<1x1x16xf32>,
        %get3A_299 = vector.shape_cast %get3A_298 : vector<1x1x16xf32> to vector<16xf32>
        %add3A_300 = arith.addf %scan3A_267, %get3A_299 : vector<16xf32>
        scf.yield %add3A_275, %add3A_282, %add3A_291, %add3A_300 : vector<16xf32>, vector<16xf32>, vector<16xf32>, vector<16xf32>
      }
      %scan3A_244 = arith.constant 64 : i32
      %scan3A_245 = arith.constant 0 : i32
      %scan3A_246 = arith.constant 64 : i32
      %scan3A_247 = arith.addi %scan3A_245, %scan3A_246 : i32
      %scan3A_248 = arith.constant 1 : i32
      %scan3A_249:4 = scf.for %scan3A_263 = %scan3A_245 to %scan3A_247 step %scan3A_248 iter_args(%scan3A_264 = %scan3A_243#0, %scan3A_265 = %scan3A_243#1, %scan3A_266 = %scan3A_243#2, %scan3A_267 = %scan3A_243#3) -> (vector<16xf32>, vector<16xf32>, vector<16xf32>, vector<16xf32>)  : i32 {
        %mul3A_268 = arith.constant 2 : i32
        %mul3A_269 = arith.muli %scan3A_263, %mul3A_268 : i32
        %get3A = arith.constant 4 : i32
        %get3A_270 = arith.index_cast %get3A : i32 to index
        %get3A_271 = arith.index_cast %mul3A_269 : i32 to index
        %get3A_272 = arith.constant 0 : index
        %get3A_273 = tpu.vector_load %arg10[%get3A_270, %get3A_271, %get3A_272] {strides = array<i32>} : memref<7x128x32xf32, #tpu.memory_space<vmem>>, vector<1x1x16xf32>,
        %get3A_274 = vector.shape_cast %get3A_273 : vector<1x1x16xf32> to vector<16xf32>
        %add3A_275 = arith.addf %scan3A_264, %get3A_274 : vector<16xf32>
        %get3A_276 = arith.constant 4 : i32
        %get3A_277 = arith.index_cast %get3A_276 : i32 to index
        %get3A_278 = arith.index_cast %mul3A_269 : i32 to index
        %get3A_279 = arith.constant 16 : index
        %get3A_280 = tpu.vector_load %arg10[%get3A_277, %get3A_278, %get3A_279] {strides = array<i32>} : memref<7x128x32xf32, #tpu.memory_space<vmem>>, vector<1x1x16xf32>,
        %get3A_281 = vector.shape_cast %get3A_280 : vector<1x1x16xf32> to vector<16xf32>
        %add3A_282 = arith.addf %scan3A_265, %get3A_281 : vector<16xf32>
        %add3A_283 = arith.constant 1 : i32
        %add3A_284 = arith.addi %mul3A_269, %add3A_283 : i32
        %get3A_285 = arith.constant 4 : i32
        %get3A_286 = arith.index_cast %get3A_285 : i32 to index
        %get3A_287 = arith.index_cast %add3A_284 : i32 to index
        %get3A_288 = arith.constant 0 : index
        %get3A_289 = tpu.vector_load %arg10[%get3A_286, %get3A_287, %get3A_288] {strides = array<i32>} : memref<7x128x32xf32, #tpu.memory_space<vmem>>, vector<1x1x16xf32>,
        %get3A_290 = vector.shape_cast %get3A_289 : vector<1x1x16xf32> to vector<16xf32>
        %add3A_291 = arith.addf %scan3A_266, %get3A_290 : vector<16xf32>
        %add3A_292 = arith.constant 1 : i32
        %add3A_293 = arith.addi %mul3A_269, %add3A_292 : i32
        %get3A_294 = arith.constant 4 : i32
        %get3A_295 = arith.index_cast %get3A_294 : i32 to index
        %get3A_296 = arith.index_cast %add3A_293 : i32 to index
        %get3A_297 = arith.constant 16 : index
        %get3A_298 = tpu.vector_load %arg10[%get3A_295, %get3A_296, %get3A_297] {strides = array<i32>} : memref<7x128x32xf32, #tpu.memory_space<vmem>>, vector<1x1x16xf32>,
        %get3A_299 = vector.shape_cast %get3A_298 : vector<1x1x16xf32> to vector<16xf32>
        %add3A_300 = arith.addf %scan3A_267, %get3A_299 : vector<16xf32>
        scf.yield %add3A_275, %add3A_282, %add3A_291, %add3A_300 : vector<16xf32>, vector<16xf32>, vector<16xf32>, vector<16xf32>
      }
      %scan3A_250 = arith.constant 64 : i32
      %scan3A_251 = arith.constant 0 : i32
      %scan3A_252 = arith.constant 64 : i32
      %scan3A_253 = arith.addi %scan3A_251, %scan3A_252 : i32
      %scan3A_254 = arith.constant 1 : i32
      %scan3A_255:4 = scf.for %scan3A_263 = %scan3A_251 to %scan3A_253 step %scan3A_254 iter_args(%scan3A_264 = %scan3A_249#0, %scan3A_265 = %scan3A_249#1, %scan3A_266 = %scan3A_249#2, %scan3A_267 = %scan3A_249#3) -> (vector<16xf32>, vector<16xf32>, vector<16xf32>, vector<16xf32>)  : i32 {
        %mul3A_268 = arith.constant 2 : i32
        %mul3A_269 = arith.muli %scan3A_263, %mul3A_268 : i32
        %get3A = arith.constant 5 : i32
        %get3A_270 = arith.index_cast %get3A : i32 to index
        %get3A_271 = arith.index_cast %mul3A_269 : i32 to index
        %get3A_272 = arith.constant 0 : index
        %get3A_273 = tpu.vector_load %arg10[%get3A_270, %get3A_271, %get3A_272] {strides = array<i32>} : memref<7x128x32xf32, #tpu.memory_space<vmem>>, vector<1x1x16xf32>,
        %get3A_274 = vector.shape_cast %get3A_273 : vector<1x1x16xf32> to vector<16xf32>
        %add3A_275 = arith.addf %scan3A_264, %get3A_274 : vector<16xf32>
        %get3A_276 = arith.constant 5 : i32
        %get3A_277 = arith.index_cast %get3A_276 : i32 to index
        %get3A_278 = arith.index_cast %mul3A_269 : i32 to index
        %get3A_279 = arith.constant 16 : index
        %get3A_280 = tpu.vector_load %arg10[%get3A_277, %get3A_278, %get3A_279] {strides = array<i32>} : memref<7x128x32xf32, #tpu.memory_space<vmem>>, vector<1x1x16xf32>,
        %get3A_281 = vector.shape_cast %get3A_280 : vector<1x1x16xf32> to vector<16xf32>
        %add3A_282 = arith.addf %scan3A_265, %get3A_281 : vector<16xf32>
        %add3A_283 = arith.constant 1 : i32
        %add3A_284 = arith.addi %mul3A_269, %add3A_283 : i32
        %get3A_285 = arith.constant 5 : i32
        %get3A_286 = arith.index_cast %get3A_285 : i32 to index
        %get3A_287 = arith.index_cast %add3A_284 : i32 to index
        %get3A_288 = arith.constant 0 : index
        %get3A_289 = tpu.vector_load %arg10[%get3A_286, %get3A_287, %get3A_288] {strides = array<i32>} : memref<7x128x32xf32, #tpu.memory_space<vmem>>, vector<1x1x16xf32>,
        %get3A_290 = vector.shape_cast %get3A_289 : vector<1x1x16xf32> to vector<16xf32>
        %add3A_291 = arith.addf %scan3A_266, %get3A_290 : vector<16xf32>
        %add3A_292 = arith.constant 1 : i32
        %add3A_293 = arith.addi %mul3A_269, %add3A_292 : i32
        %get3A_294 = arith.constant 5 : i32
        %get3A_295 = arith.index_cast %get3A_294 : i32 to index
        %get3A_296 = arith.index_cast %add3A_293 : i32 to index
        %get3A_297 = arith.constant 16 : index
        %get3A_298 = tpu.vector_load %arg10[%get3A_295, %get3A_296, %get3A_297] {strides = array<i32>} : memref<7x128x32xf32, #tpu.memory_space<vmem>>, vector<1x1x16xf32>,
        %get3A_299 = vector.shape_cast %get3A_298 : vector<1x1x16xf32> to vector<16xf32>
        %add3A_300 = arith.addf %scan3A_267, %get3A_299 : vector<16xf32>
        scf.yield %add3A_275, %add3A_282, %add3A_291, %add3A_300 : vector<16xf32>, vector<16xf32>, vector<16xf32>, vector<16xf32>
      }
      %scan3A_256 = arith.constant 64 : i32
      %scan3A_257 = arith.constant 0 : i32
      %scan3A_258 = arith.constant 64 : i32
      %scan3A_259 = arith.addi %scan3A_257, %scan3A_258 : i32
      %scan3A_260 = arith.constant 1 : i32
      %scan3A_261:4 = scf.for %scan3A_263 = %scan3A_257 to %scan3A_259 step %scan3A_260 iter_args(%scan3A_264 = %scan3A_255#0, %scan3A_265 = %scan3A_255#1, %scan3A_266 = %scan3A_255#2, %scan3A_267 = %scan3A_255#3) -> (vector<16xf32>, vector<16xf32>, vector<16xf32>, vector<16xf32>)  : i32 {
        %mul3A_268 = arith.constant 2 : i32
        %mul3A_269 = arith.muli %scan3A_263, %mul3A_268 : i32
        %get3A = arith.constant 6 : i32
        %get3A_270 = arith.index_cast %get3A : i32 to index
        %get3A_271 = arith.index_cast %mul3A_269 : i32 to index
        %get3A_272 = arith.constant 0 : index
        %get3A_273 = tpu.vector_load %arg10[%get3A_270, %get3A_271, %get3A_272] {strides = array<i32>} : memref<7x128x32xf32, #tpu.memory_space<vmem>>, vector<1x1x16xf32>,
        %get3A_274 = vector.shape_cast %get3A_273 : vector<1x1x16xf32> to vector<16xf32>
        %add3A_275 = arith.addf %scan3A_264, %get3A_274 : vector<16xf32>
        %get3A_276 = arith.constant 6 : i32
        %get3A_277 = arith.index_cast %get3A_276 : i32 to index
        %get3A_278 = arith.index_cast %mul3A_269 : i32 to index
        %get3A_279 = arith.constant 16 : index
        %get3A_280 = tpu.vector_load %arg10[%get3A_277, %get3A_278, %get3A_279] {strides = array<i32>} : memref<7x128x32xf32, #tpu.memory_space<vmem>>, vector<1x1x16xf32>,
        %get3A_281 = vector.shape_cast %get3A_280 : vector<1x1x16xf32> to vector<16xf32>
        %add3A_282 = arith.addf %scan3A_265, %get3A_281 : vector<16xf32>
        %add3A_283 = arith.constant 1 : i32
        %add3A_284 = arith.addi %mul3A_269, %add3A_283 : i32
        %get3A_285 = arith.constant 6 : i32
        %get3A_286 = arith.index_cast %get3A_285 : i32 to index
        %get3A_287 = arith.index_cast %add3A_284 : i32 to index
        %get3A_288 = arith.constant 0 : index
        %get3A_289 = tpu.vector_load %arg10[%get3A_286, %get3A_287, %get3A_288] {strides = array<i32>} : memref<7x128x32xf32, #tpu.memory_space<vmem>>, vector<1x1x16xf32>,
        %get3A_290 = vector.shape_cast %get3A_289 : vector<1x1x16xf32> to vector<16xf32>
        %add3A_291 = arith.addf %scan3A_266, %get3A_290 : vector<16xf32>
        %add3A_292 = arith.constant 1 : i32
        %add3A_293 = arith.addi %mul3A_269, %add3A_292 : i32
        %get3A_294 = arith.constant 6 : i32
        %get3A_295 = arith.index_cast %get3A_294 : i32 to index
        %get3A_296 = arith.index_cast %add3A_293 : i32 to index
        %get3A_297 = arith.constant 16 : index
        %get3A_298 = tpu.vector_load %arg10[%get3A_295, %get3A_296, %get3A_297] {strides = array<i32>} : memref<7x128x32xf32, #tpu.memory_space<vmem>>, vector<1x1x16xf32>,
        %get3A_299 = vector.shape_cast %get3A_298 : vector<1x1x16xf32> to vector<16xf32>
        %add3A_300 = arith.addf %scan3A_267, %get3A_299 : vector<16xf32>
        scf.yield %add3A_275, %add3A_282, %add3A_291, %add3A_300 : vector<16xf32>, vector<16xf32>, vector<16xf32>, vector<16xf32>
      }
      %scan3A_262 = arith.constant 64 : i32
      scf.yield %scan3A_261#0, %scan3A_261#1, %scan3A_261#2, %scan3A_261#3 : vector<16xf32>, vector<16xf32>, vector<16xf32>, vector<16xf32>
    }
    %scan3A_20 = arith.constant 7 : i32
    %add3A_21 = arith.addf %scan3A_19#0, %scan3A_19#2 : vector<16xf32>
    %swap3A = arith.constant 0 : i32
    %swap3A_22 = arith.index_cast %swap3A : i32 to index
    %swap3A_23 = arith.constant 0 : index
    %swap3A_24 = tpu.vector_load %arg11[%swap3A_22, %swap3A_23] {strides = array<i32>} : memref<1x32xf32, #tpu.memory_space<vmem>>, vector<1x16xf32>,
    %swap3A_25 = vector.shape_cast %swap3A_24 : vector<1x16xf32> to vector<16xf32>
    %swap3A_26 = vector.shape_cast %add3A_21 : vector<16xf32> to vector<1x16xf32>
    tpu.vector_store %arg11[%swap3A_22, %swap3A_23], %swap3A_26 {strides = array<i32>} : memref<1x32xf32, #tpu.memory_space<vmem>>, vector<1x16xf32>,
    %add3A_27 = arith.addf %scan3A_19#1, %scan3A_19#3 : vector<16xf32>
    %swap3A_28 = arith.constant 0 : i32
    %swap3A_29 = arith.index_cast %swap3A_28 : i32 to index
    %swap3A_30 = arith.constant 16 : index
    %swap3A_31 = tpu.vector_load %arg11[%swap3A_29, %swap3A_30] {strides = array<i32>} : memref<1x32xf32, #tpu.memory_space<vmem>>, vector<1x16xf32>,
    %swap3A_32 = vector.shape_cast %swap3A_31 : vector<1x16xf32> to vector<16xf32>
    %swap3A_33 = vector.shape_cast %add3A_27 : vector<16xf32> to vector<1x16xf32>
    tpu.vector_store %arg11[%swap3A_29, %swap3A_30], %swap3A_33 {strides = array<i32>} : memref<1x32xf32, #tpu.memory_space<vmem>>, vector<1x16xf32>,
    "tpu.region"() ({
      %run_scoped3A = tpu.sem_alloc : memref<!tpu.dma_semaphore, #tpu.memory_space<semaphore_mem>>
      %dma_start3A_34 = arith.constant 0 : i32
      %dma_start3A_35 = arith.constant 0 : i32
      %dma_start3A_36 = tpu.memref_slice %arg6[%add3A, %dma_start3A_34, %dma_start3A_35] : memref<32x1x32xf32, #tpu.memory_space<hbm>> -> memref<1x1x32xf32, #tpu.memory_space<hbm>>
      %dma_start3A_37 = tpu.memref_squeeze %dma_start3A_36 : memref<1x1x32xf32, #tpu.memory_space<hbm>> -> memref<1x32xf32, #tpu.memory_space<hbm>>
      %dma_start3A_38 = arith.constant 0 : i32
      %dma_start3A_39 = arith.constant 0 : i32
      %dma_start3A_40 = tpu.memref_slice %arg6[%add3A, %dma_start3A_38, %dma_start3A_39] : memref<32x1x32xf32, #tpu.memory_space<hbm>> -> memref<1x1x32xf32, #tpu.memory_space<hbm>>
      %dma_start3A_41 = tpu.memref_squeeze %dma_start3A_40 : memref<1x1x32xf32, #tpu.memory_space<hbm>> -> memref<1x32xf32, #tpu.memory_space<hbm>>
      tpu.enqueue_dma source(%arg11 : memref<1x32xf32, #tpu.memory_space<vmem>>) target(%dma_start3A_41 : memref<1x32xf32, #tpu.memory_space<hbm>>) target_semaphore(%run_scoped3A : memref<!tpu.dma_semaphore, #tpu.memory_space<semaphore_mem>>)
      %dma_wait3A_42 = arith.constant 0 : i32
      %dma_wait3A_43 = arith.constant 0 : i32
      %dma_wait3A_44 = tpu.memref_slice %arg6[%add3A, %dma_wait3A_42, %dma_wait3A_43] : memref<32x1x32xf32, #tpu.memory_space<hbm>> -> memref<1x1x32xf32, #tpu.memory_space<hbm>>
      %dma_wait3A_45 = tpu.memref_squeeze %dma_wait3A_44 : memref<1x1x32xf32, #tpu.memory_space<hbm>> -> memref<1x32xf32, #tpu.memory_space<hbm>>
      %dma_wait3A_46 = arith.constant 0 : i32
      %dma_wait3A_47 = arith.constant 0 : i32
      %dma_wait3A_48 = tpu.memref_slice %arg6[%add3A, %dma_wait3A_46, %dma_wait3A_47] : memref<32x1x32xf32, #tpu.memory_space<hbm>> -> memref<1x1x32xf32, #tpu.memory_space<hbm>>
      %dma_wait3A_49 = tpu.memref_squeeze %dma_wait3A_48 : memref<1x1x32xf32, #tpu.memory_space<hbm>> -> memref<1x32xf32, #tpu.memory_space<hbm>>
      tpu.wait_dma2 semaphore(%run_scoped3A : memref<!tpu.dma_semaphore, #tpu.memory_space<semaphore_mem>>) src(%arg11 : memref<1x32xf32, #tpu.memory_space<vmem>>) dst(%dma_wait3A_49 : memref<1x32xf32, #tpu.memory_space<hbm>>)
      tpu.yield
    }) : () -> ()
    return
  }
}

module attributes {stable_mosaic.version = 14 : i64} {
  func.func @_dense_body(%arg0: memref<4096x32xf32, #tpu.memory_space<vmem>>, %arg1: memref<32x1x32xf32, #tpu.memory_space<vmem>>, %arg2: memref<4096x1xi32, #tpu.memory_space<vmem>>, %arg3: memref<4096x1xi32, #tpu.memory_space<vmem>>, %arg4: memref<5x32xf32, #tpu.memory_space<vmem>>, %arg5: memref<1x5xf32, #tpu.memory_space<vmem>>, %arg6: memref<4096x5xf32, #tpu.memory_space<vmem>>) attributes {dimension_semantics = [], scalar_prefetch = 0 : i64, scratch_operands = 0 : i64, tpu.core_type = #tpu.core_type<tc>} {
    %get3A = arith.constant 0 : index
    %get3A_0 = arith.constant 0 : index
    %get3A_1 = vector.load %arg0[%get3A, %get3A_0] : memref<4096x32xf32, #tpu.memory_space<vmem>>, vector<4096x32xf32>
    %get3A_2 = arith.constant 0 : index
    %get3A_3 = arith.constant 0 : index
    %get3A_4 = arith.constant 0 : index
    %get3A_5 = vector.load %arg1[%get3A_2, %get3A_3, %get3A_4] : memref<32x1x32xf32, #tpu.memory_space<vmem>>, vector<32x1x32xf32>
    %reduce_sum3A = arith.constant dense<0.000000e+00> : vector<1x32xf32>
    %reduce_sum3A_6 = vector.multi_reduction <add>, %get3A_5, %reduce_sum3A [0] : vector<32x1x32xf32> to vector<1x32xf32>
    %iota3A = tpu.iota {dimensions = array<i32: 0>} : vector<4096x1xi32>
    %eq3A = arith.constant 4095 : i32
    %eq3A_7 = vector.broadcast %eq3A : i32 to vector<4096x1xi32>
    %eq3A_8 = arith.cmpi eq, %iota3A, %eq3A_7 : vector<4096x1xi32>
    %jit3A = arith.constant 1.000000e+00 : f32
    %jit3A_9 = arith.constant 0.000000e+00 : f32
    %broadcast_in_dim3A = vector.broadcast %jit3A : f32 to vector<4096x1xf32>
    %broadcast_in_dim3A_10 = vector.broadcast %jit3A_9 : f32 to vector<4096x1xf32>
    %select_n3A = arith.select %eq3A_8, %broadcast_in_dim3A, %broadcast_in_dim3A_10 : vector<4096x1xi1>, vector<4096x1xf32>
    %mul3A = vector.broadcast %select_n3A : vector<4096x1xf32> to vector<4096x32xf32>
    %mul3A_11 = vector.broadcast %reduce_sum3A_6 : vector<1x32xf32> to vector<4096x32xf32>
    %mul3A_12 = arith.mulf %mul3A, %mul3A_11 : vector<4096x32xf32>
    %add3A = arith.addf %get3A_1, %mul3A_12 : vector<4096x32xf32>
    %get3A_13 = arith.constant 0 : index
    %get3A_14 = arith.constant 0 : index
    %get3A_15 = vector.load %arg3[%get3A_13, %get3A_14] : memref<4096x1xi32, #tpu.memory_space<vmem>>, vector<4096x1xi32>
    %get3A_16 = arith.constant 0 : index
    %get3A_17 = arith.constant 0 : index
    %get3A_18 = vector.load %arg2[%get3A_16, %get3A_17] : memref<4096x1xi32, #tpu.memory_space<vmem>>, vector<4096x1xi32>
    %sub3A = arith.subi %get3A_15, %get3A_18 : vector<4096x1xi32>
    %convert_element_type3A = arith.sitofp %sub3A : vector<4096x1xi32> to vector<4096x1xf32>
    %max3A = arith.constant 1.000000e+00 : f32
    %max3A_19 = vector.broadcast %max3A : f32 to vector<4096x1xf32>
    %max3A_20 = arith.maximumf %convert_element_type3A, %max3A_19 : vector<4096x1xf32>
    %div3A = vector.broadcast %max3A_20 : vector<4096x1xf32> to vector<4096x32xf32>
    %div3A_21 = arith.divf %add3A, %div3A : vector<4096x32xf32>
    %get3A_22 = arith.constant 0 : index
    %get3A_23 = arith.constant 0 : index
    %get3A_24 = vector.load %arg4[%get3A_22, %get3A_23] : memref<5x32xf32, #tpu.memory_space<vmem>>, vector<5x32xf32>
    %dot_general3A = arith.constant dense<0.000000e+00> : vector<4096x5xf32>
    %dot_general3A_25 = tpu.matmul %div3A_21, %get3A_24, %dot_general3A {dimension_numbers = #tpu.dot_dimension_numbers<[1], [1], [0], [0], [0, 0, 1, 0], [], []>, transpose_lhs_hint = false} : vector<4096x32xf32>, vector<5x32xf32>, vector<4096x5xf32> -> vector<4096x5xf32>
    %get3A_26 = arith.constant 0 : index
    %get3A_27 = arith.constant 0 : index
    %get3A_28 = vector.load %arg5[%get3A_26, %get3A_27] : memref<1x5xf32, #tpu.memory_space<vmem>>, vector<1x5xf32>
    %add3A_29 = vector.broadcast %get3A_28 : vector<1x5xf32> to vector<4096x5xf32>
    %add3A_30 = arith.addf %dot_general3A_25, %add3A_29 : vector<4096x5xf32>
    %swap3A = arith.constant 0 : index
    %swap3A_31 = arith.constant 0 : index
    %swap3A_32 = vector.load %arg6[%swap3A, %swap3A_31] : memref<4096x5xf32, #tpu.memory_space<vmem>>, vector<4096x5xf32>
    tpu.vector_store %arg6[%swap3A, %swap3A_31], %add3A_30 {strides = array<i32>} : memref<4096x5xf32, #tpu.memory_space<vmem>>, vector<4096x5xf32>,
    return
  }
}

</mosaic_0001>

<sc_bundles>
// kernel: kernel.4.cloned.1.call-start
scs
__scs_entry_jumppad:
0x0: {  	(pc) =	sbr.rel $0x88, $3  }
0x1: {  	(tag) =	ssettag $0x0;
	lr =	simm.s32 $0x1  }
0x2: {  	[smem:$0x3F9C] =	sst lr;
	_ =	strace $0xD0000000  }
0x3: {  	_ = 	snop  }
0x4: {  	_ = 	snop  }
0x5: {  	_ = 	snop  }
0x6: {  	_ = 	snop  }
0x7: {  	_ = 	snop  }
__scs_overlays_trampoline_lowered:
0x8: {  	[smem:$0x3FAB] =	sst s0  }
0x9: {  	[smem:$0x3FAC] =	sst s1  }
0xa: {  	[smem:$0x3FAD] =	sst s2  }
0xb: {  	[smem:$0x3FAE] =	sst s3  }
0xc: {  	[smem:$0x3FAF] =	sst s4  }
0xd: {  	[smem:$0x3FB0] =	sst s5  }
0xe: {  	[smem:$0x3FB1] =	sst s6  }
0xf: {  	[smem:$0x3FB2] =	sst s7  }
0x10: {  	[smem:$0x3FB3] =	sst s8  }
0x11: {  	[smem:$0x3FB4] =	sst s9;
	s0 =	simm.s32 @!p0 $0x0  }
0x12: {  	s1 =	sld [smem:$0x3F9A];
	s0 =	simm.s32 @p0 $0x1  }
0x13: {  	[smem:$0x3FB5] =	sst s0;
	s0 =	simm.s32 @!p1 $0x0  }
0x14: {  	s2 =	sld [smem:$0x3F99];
	s0 =	simm.s32 @p1 $0x1  }
0x15: {  	[smem:$0x3FB6] =	sst s0;
	s0 =	simm.s32 @!p2 $0x0  }
0x16: {  	s3 =	sld [smem:$0x3FDB];
	s0 =	simm.s32 @p2 $0x1  }
0x17: {  	s4 =	simm.s32 $0x1BF5;
	[smem:$0x3FB8] =	sst s0  }
0x18: {  	s0 =	sld [smem:$0x3F9B];
	_ =	swait.ge [sflag:s4], $0x0  }
0x19: {  	s7 =	sld [smem:$0x3F9C]  }
0x1a: {  	s8 =	sadd.s32 $0xFFFFE003, lr  }
0x1b: {  	s9 =	sadd.s32 $0xFFFFFEF7, lr;
	s5 =	simm.s32 $0xFFFFFFFF;
	p2 =	slt.u32 s8, $0xFFFFF086  }
0x1c: {  	p1 =	slt.u32 s9, $0xF7A;
	s5 =	simm.s32 @!p2 $0x0  }
0x1d: {  	s5 =	simm.s32 @p1 $0x1;
	p0 =	seq.s32 s7, s2  }
0x1e: {  	s7 =	smul.u32 @!p0 $0xF7A, s2;
	p2 =	seq.s32 @!p0 s5, $0x0  }
0x1f: {  	s9 =	smul.u32 $0xF7A, s1;
	s8 =	simm.s32 @!p0 $0x1BF5;
	p2 =	por !p2, p0  }
0x20: {  	[sflag:s8] =	ssyncset.s32 @!p0 $0xFFFFF086;
	s6 =	sadd.s32 @!p0 s3, s7;
	s7 =	simm.s32 @!p0 $0x108  }
0x21: {  	s3 =	sadd.s32 s3, s9;
	s6 =	sadd.s32 @!p0 $0x88, s6;
	s7 =	simm.s32 @p2 $0x1082  }
0x22: {  	[simem:s7], [sflag:s8] =	dma.local @!p0 [hbm:s6], $0xF7A  }
0x23: {  	s9 =	sor.u32 $0xD0000000, s2;
	s6 =	simm.s32 $0x108;
	_ =	swait.ge @!p0 [sflag:s8], $0x0  }
0x24: {  	s3 =	sadd.s32 $0x88, s3;
	s6 =	simm.s32 @!p1 $0x1082;
	[sflag:s4] =	ssyncset.s32 $0xFFFFF086  }
0x25: {  	[simem:s6], [sflag:s4] =	dma.local [hbm:s3], $0xF7A  }
0x26: {  	[smem:$0x3F9C] =	sst s1;
	(tag) =	ssettag s2;
	_ =	strace s9  }
0x27: {  	s1 =	sld [smem:$0x3FAC]  }
0x28: {  	s2 =	sld [smem:$0x3FAD]  }
0x29: {  	s4 =	sld [smem:$0x3FAF]  }
0x2a: {  	p0 =	seq.s32 s5, $0x0;
	s5 =	sld [smem:$0x3FB0]  }
0x2b: {  	s6 =	sld [smem:$0x3FB1]  }
0x2c: {  	s7 =	sld [smem:$0x3FB2]  }
0x2d: {  	s3 =	simm.s32 $0x108;
	s8 =	sld [smem:$0x3FB3]  }
0x2e: {  	s3 =	simm.s32 @!p0 $0x1082;
	s9 =	sld [smem:$0x3FB4]  }
0x2f: {  	lr =	sadd.s32 s0, s3;
	s0 =	sld [smem:$0x3FAB]  }
0x30: {  	s3 =	sld [smem:$0x3FAE]  }
0x31: {  	[smem:$0x3FB7] =	sst s10  }
0x32: {  	s10 =	sld [smem:$0x3FB5];
	_ =	sdelay $0x3  }
0x33: {  	p0 =	seq.s32 s10, $0x1;
	s10 =	sld [smem:$0x3FB7];
	_ =	sdelay $0x3  }
0x34: {  	[smem:$0x3FB7] =	sst s10  }
0x35: {  	s10 =	sld [smem:$0x3FB6];
	_ =	sdelay $0x3  }
0x36: {  	p1 =	seq.s32 s10, $0x1;
	s10 =	sld [smem:$0x3FB7];
	_ =	sdelay $0x3  }
0x37: {  	[smem:$0x3FB7] =	sst s10  }
0x38: {  	s10 =	sld [smem:$0x3FB8]  }
0x39: {  	_ = 	snop;
	(pc) =	sbr.ind lr, $3  }
0x3a: {  	_ = 	snop  }
0x3b: {  	_ = 	snop  }
0x3c: {  	p2 =	seq.s32 s10, $0x1;
	s10 =	sld [smem:$0x3FB7]  }
0x3d: {  	_ =	shalt  }
0x3e: {  	_ =	shalt  }
0x3f: {  	_ =	shalt  }
0x40: {  	_ =	shalt  }
0x41: {  	_ =	shalt  }
0x42: {  	_ =	shalt  }
0x43: {  	_ =	shalt  }
0x44: {  	_ =	shalt  }
0x45: {  	_ =	shalt  }
0x46: {  	_ =	shalt  }
0x47: {  	_ =	shalt  }
0x48: {  	_ =	shalt  }
0x49: {  	_ =	shalt  }
0x4a: {  	_ =	shalt  }
0x4b: {  	_ =	shalt  }
0x4c: {  	_ =	shalt  }
0x4d: {  	_ =	shalt  }
0x4e: {  	_ =	shalt  }
0x4f: {  	_ =	shalt  }
0x50: {  	_ =	shalt  }
0x51: {  	_ =	shalt  }
0x52: {  	_ =	shalt  }
0x53: {  	_ =	shalt  }
0x54: {  	_ =	shalt  }
0x55: {  	_ =	shalt  }
0x56: {  	_ =	shalt  }
0x57: {  	_ =	shalt  }
0x58: {  	_ =	shalt  }
0x59: {  	_ =	shalt  }
0x5a: {  	_ =	shalt  }
0x5b: {  	_ =	shalt  }
0x5c: {  	_ =	shalt  }
0x5d: {  	_ =	shalt  }
0x5e: {  	_ =	shalt  }
0x5f: {  	_ =	shalt  }
0x60: {  	_ =	shalt  }
0x61: {  	_ =	shalt  }
0x62: {  	_ =	shalt  }
0x63: {  	_ =	shalt  }
0x64: {  	_ =	shalt  }
0x65: {  	_ =	shalt  }
0x66: {  	_ =	shalt  }
0x67: {  	_ =	shalt  }
0x68: {  	_ =	shalt  }
0x69: {  	_ =	shalt  }
0x6a: {  	_ =	shalt  }
0x6b: {  	_ =	shalt  }
0x6c: {  	_ =	shalt  }
0x6d: {  	_ =	shalt  }
0x6e: {  	_ =	shalt  }
0x6f: {  	_ =	shalt  }
0x70: {  	_ =	shalt  }
0x71: {  	_ =	shalt  }
0x72: {  	_ =	shalt  }
0x73: {  	_ =	shalt  }
0x74: {  	_ =	shalt  }
0x75: {  	_ =	shalt  }
0x76: {  	_ =	shalt  }
0x77: {  	_ =	shalt  }
0x78: {  	_ =	shalt  }
0x79: {  	_ =	shalt  }
0x7a: {  	_ =	shalt  }
0x7b: {  	_ =	shalt  }
0x7c: {  	_ =	shalt  }
0x7d: {  	_ =	shalt  }
0x7e: {  	_ =	shalt  }
0x7f: {  	_ =	shalt  }
0x80: {  	_ =	shalt  }
0x81: {  	_ =	shalt  }
0x82: {  	_ =	shalt  }
0x83: {  	_ =	shalt  }
0x84: {  	_ =	shalt  }
0x85: {  	_ =	shalt  }
0x86: {  	_ =	shalt  }
0x87: {  	_ =	shalt  }
.Lfunc_end0:
.L_simem_size_0:
called_computation_lowered:
.L_overlay_start_0:
0x88: {  	s2 =	sld [smem:$0x3FD9]  }
0x89: {  	s3 =	sld [smem:$0x3FFE];
	_ =	sdelay $0x1  }
0x8a: {  	s1 =	srdreg.scid  }
0x8b: {  	s0 =	sand.u32 $0x1, s1  }
0x8c: {  	s17 =	sshll.u32 s0, $0xA;
	s2 =	sadd.s32 s3, s2  }
0x8d: {  	s2 =	sadd.s32 s2, s17  }
0x8e: {  	[smem:$0x3FC3] =	sst s2  }
0x8f: {  	_ = 	snop  }
0x90: {  	s2 =	sld [smem:$0x3FD0];
	(tm) =	ssettm $0x1  }
0x91: {  	s18 =	sld [smem:$0x3FFB];
	_ =	sdelay $0x3  }
0x92: {  	_ =	strace s18  }
0x93: {  	s3 =	sld [smem:$0x3FFC];
	_ =	sdelay $0x3  }
0x94: {  	_ =	strace s3  }
0x95: {  	s3 =	sld [smem:$0x3FFD];
	_ =	sdelay $0x3  }
0x96: {  	_ =	strace s3  }
0x97: {  	_ =	strace $0x8FFFFFFF  }
0x98: {  	s19 =	sld [smem:$0x3FDB];
	_ =	sdelay $0x1  }
0x99: {  	s4 =	simm.s32 $_scs_section_size  }
0x9a: {  	s5 =	simm.s32 $_size__tile_overlayer_lowered;
	s6 =	simm.s32 $_tile_overlayer_lowered  }
0x9b: {  	s22 =	simm.s32 $0x1BFF;
	s21 =	sshll.u32 s6, $0x1;
	s3 =	sadd.s32 s4, s19  }
0x9c: {  	s7 =	simm.s32 $0x0;
	s20 =	sshll.u32 s5, $0x1;
	s5 =	sadd.s32 s21, s3  }
0x9d: {  	[timem:s7], [sflag:s22] =	dma.local [hbm:s5], s20  }
0x9e: {  	_ =	swait.ge [sflag:s22], s20  }
0x9f: {  	s4 =	ssub.s32 $0x0, s20;
	[sflag:s22] =	ssyncset.done $0x0  }
0xa0: {  	[sflag:s22] =	ssyncadd.s32 s4;
	_ =	sdelay $0x1  }
0xa1: {  	s23 =	simm.s32 $0x1B8B  }
0xa2: {  	_ =	swait.ge [sflag:s23], $0x1  }
0xa3: {  	[sflag:s23] =	ssyncset.done $0x0  }
0xa4: {  	s25 =	simm.s32 $0x1B8E;
	s24 =	sld [smem:$0x3FFE];
	[sflag:s23] =	ssyncadd.s32 $0xFFFFFFFF  }
0xa5: {  	s26 =	simm.s32 $execute0_lowered;
	[smem:$0x3FD2] =	sst s25  }
0xa6: {  	s5 =	sshll.u32 s26, $0x1;
	_ =	strace $0x80000046;
	[dreg:$0x1] =	wrdreg $0xFFFFFFFF  }
0xa7: {  	s28 =	simm.s32 $_size_execute0_lowered;
	s3 =	sadd.s32 s3, s5;
	[dreg:$0x0] =	wrdreg $0x0  }
0xa8: {  	s5 =	sshll.u32 s28, $0x1;
	[dreg:$0x2] =	wrdreg s3  }
0xa9: {  	[dreg:$0x3] =	wrdreg s5  }
0xaa: {  	[dreg:$0x4] =	wrdreg $0xC0  }
0xab: {  	_ =	task [dreg:s7], $0x5FFFF  }
0xac: {  	[dreg:$0x1] =	wrdreg $0xFFFFFFFF  }
0xad: {  	[dreg:$0x0] =	wrdreg $0x60  }
0xae: {  	[dreg:$0x2] =	wrdreg s2  }
0xaf: {  	[dreg:$0x3] =	wrdreg s24  }
0xb0: {  	[dreg:$0x4] =	wrdreg $0x9  }
0xb1: {  	_ =	task.clear_ibuf [dreg:s7], $0x5FFFF;
	_ =	strace $0x90000046  }
0xb2: {  	s29 =	simm.s32 $0x9;
	_ =	strace $0x80000048  }
0xb3: {  	_ =	swait.ge [sflag:s29], $0x1  }
0xb4: {  	[sflag:s29] =	ssyncadd.s32 $0xFFFFFFFF  }
0xb5: {  	_ =	strace $0x90000048  }
0xb6: {  	_ =	sfence  }
0xb7: {  	s30 =	sld [smem:$0x0];
	_ =	sdelay $0x2  }
0xb8: {  	s31 =	sshll.u32 s1, $0xD;
	s1 =	sshrl.u32 s1, $0x2  }
0xb9: {  	s3 =	sand.u32 $0x4000, s31;
	s1 =	sadd.s32 s1, s30  }
0xba: {  	s0 =	sor.u32 s3, s0;
	s1 =	sshll.u32 s1, $0x11  }
0xbb: {  	s0 =	sor.u32 s1, s0  }
0xbc: {  	s0 =	sadd.s32 $0x8F2B, s0  }
0xbd: {  	[sflag:s0] =	ssyncadd.remote.s32 $0x1  }
0xbe: {  	_ =	sfence.sel $0xFFFF  }
0xbf: {  	[dreg:$0x0] =	wrdreg $0xFFFFFFFF;
	(pc) =	sbr.abs _section_cstart, $3  }
0xc0: {  	[dreg:$0x1] =	wrdreg $0xFFFFFFFF  }
0xc1: {  	_ =	task.clear_ibuf [dreg:s7], $0x2FFFF;
	_ =	strace $0x9FFFFFFF  }
0xc2: {  	(tm) =	ssettm $0x7FFFFFFF  }
0xc3: {  	_ =	shalt  }
tec
execute0_lowered:
.L_overlay_start_1:
0x0: {  	(tag) =	ssettag $0x1  }
0x1: {  	s1 =	srdreg.scid;
	s4 =	rddreg [dreg:$0x0]  }
0x2: {  	s0 =	stileid.u32;
	s6 =	rddreg [dreg:$0x1];
	s2 =	simm.s32 $0x0  }
0x3: {  	s12 =	simm.s32 $0x1;
	s13 =	simm.s32 $0x2900;
	s14 =	simm.s32 $0x3900  }
0x4: {  	s15 =	simm.s32 $0x4900;
	s16 =	simm.s32 $0x5900;
	s17 =	simm.s32 $0x6900  }
0x5: {  	s18 =	simm.s32 $0x7900;
	s19 =	simm.s32 $0x8900;
	s20 =	simm.s32 $0x2  }
0x6: {  	s21 =	simm.s32 $0x9900;
	s5 =	sand.u32 $0x1, s1;
	s1 =	rddreg [dreg:$0x2]  }
0x7: {  	s22 =	simm.s32 $0x0;
	s31 =	sshll.u32 s0, $0x1;
	[smem:$0x7FF] =	sst s2  }
0x8: {  	s7 =	sor.u32 s5, s31;
	_ =	strace $0x80000047;
	s5 =	ssub.s32 $0x2, s5  }
0x9: {  	s3 =	smul.u32 $0x310, s7;
	s9 =	sshll.u32 s7, $0x9;
	s10 =	sshll.u32 s7, $0x2  }
0xa: {  	s11 =	sshrl.u32 s5, $0x1;
	s7 =	sshll.u32 s7, $0x4;
	s9 =	sadd.s32 s9, s6  }
0xb: {  	s10 =	sadd.s32 s10, s6;
	s11 =	ssub.s32 s5, s11;
	s4 =	sadd.s32 s4, s7  }
0xc: {  	s8 =	sadd.s32 s3, s6;
	s3 =	sadd.s32 $0xF49600, s6;
	s5 =	sadd.s32 $0x7200, s9  }
0xd: {  	s7 =	sadd.s32 $0xB200, s10;
	s9 =	simm.s32 $0x3;
	s10 =	simm.s32 $0x80  }
0xe: {  	s6 =	sadd.s32 $0x1000, s8;
	s8 =	smax.u32 s11, $0x1;
	s11 =	simm.s32 $0x1900  }
.LBB2_1:
0xf: {  	[tilespmem:s2], [sflag:$0x3] =	stream.linear.gather [hbm4b:s4+s2], $0x80, $0x38;
	[tilespmem:$0x9920] =	vst v63  }
0x10: {  	_ =	swait.ge [sflag:s9], $0x80  }
0x11: {  	[sflag:s9] =	ssyncset.done $0x0  }
0x12: {  	[sflag:s9] =	ssyncadd.s32 $0xFFFFFF80  }
0x13: {  	[tilespmem:s11], [sflag:$0x1] =	stream.indirect.gather [hbm4b:s3+s10], $0x20, s2, s10, $0xb8;
	[tilespmem:$0x9920] =	vst v63  }
0x14: {  	_ =	swait.ge [sflag:s12], $0x1000  }
0x15: {  	[sflag:s12] =	ssyncset.done $0x0  }
0x16: {  	[sflag:s12] =	ssyncadd.s32 $0xFFFFF000  }
0x17: {  	[hbm4b:s5+s2] =	stream.linear.scatter [tilespmem:s11], [sflag:$0x3], $0x1000, $0x38;
	[tilespmem:$0x9920] =	vst v63  }
0x18: {  	_ =	swait.ge [sflag:s9], $0x1000  }
0x19: {  	[sflag:s9] =	ssyncset.done $0x0  }
0x1a: {  	[sflag:s9] =	ssyncadd.s32 $0xFFFFF000  }
0x1b: {  	[tilespmem:s10], [sflag:$0x3] =	stream.linear.gather [hbm4b:s6+s2], $0x1880, $0x38;
	[tilespmem:$0x9920] =	vst v63  }
0x1c: {  	_ =	swait.ge [sflag:s9], $0x1880  }
0x1d: {  	v0 =	vimm.f32 $0.0e+00;
	[sflag:s9] =	ssyncset.done $0x0  }
0x1e: {  	v2 =	vimm.f32 $0.0e+00;
	v1 =	vimm.f32 $0.0e+00;
	v3 =	vimm.f32 $0.0e+00;
	s23 =	simm.s32 $0x0;
	[sflag:s9] =	ssyncadd.s32 $0xFFFFE780  }
.LBB2_2:
0x1f: {  	s24 =	smul.u32 $0xE00, s23;
	_ =	sdelay $0x1  }
0x20: {  	s24 =	sshra.s32 s24, $0x2  }
0x21: {  	s25 =	sadd.s32 $0x80, s24  }
0x22: {  	[tilespmem:s13], [sflag:$0x2] =	stream.indirect.gather [hbm4b:s3+s10], $0x20, s25, s10, $0xb8;
	[tilespmem:$0x9920] =	vst v63  }
0x23: {  	s26 =	sadd.s32 $0x100, s24  }
0x24: {  	[tilespmem:s14], [sflag:$0x2] =	stream.indirect.gather [hbm4b:s3+s10], $0x20, s26, s10, $0xb8;
	[tilespmem:$0x9920] =	vst v63  }
0x25: {  	s28 =	sadd.s32 $0x180, s24  }
0x26: {  	[tilespmem:s15], [sflag:$0x2] =	stream.indirect.gather [hbm4b:s3+s10], $0x20, s28, s10, $0xb8;
	[tilespmem:$0x9920] =	vst v63  }
0x27: {  	s29 =	sadd.s32 $0x200, s24  }
0x28: {  	[tilespmem:s16], [sflag:$0x2] =	stream.indirect.gather [hbm4b:s3+s10], $0x20, s29, s10, $0xb8;
	[tilespmem:$0x9920] =	vst v63  }
0x29: {  	s30 =	sadd.s32 $0x280, s24  }
0x2a: {  	[tilespmem:s17], [sflag:$0x2] =	stream.indirect.gather [hbm4b:s3+s10], $0x20, s30, s10, $0xb8;
	[tilespmem:$0x9920] =	vst v63  }
0x2b: {  	s31 =	sadd.s32 $0x300, s24  }
0x2c: {  	[tilespmem:s18], [sflag:$0x2] =	stream.indirect.gather [hbm4b:s3+s10], $0x20, s31, s10, $0xb8;
	[tilespmem:$0x9920] =	vst v63  }
0x2d: {  	s24 =	sadd.s32 $0x380, s24  }
0x2e: {  	[tilespmem:s19], [sflag:$0x2] =	stream.indirect.gather [hbm4b:s3+s10], $0x20, s24, s10, $0xb8;
	[tilespmem:$0x9920] =	vst v63  }
0x2f: {  	_ =	swait.ge [sflag:s20], $0x1000  }
0x30: {  	[sflag:s20] =	ssyncset.done $0x0  }
0x31: {  	[sflag:s20] =	ssyncadd.s32 $0xFFFFF000  }
0x32: {  	_ =	swait.ge [sflag:s20], $0x1000  }
0x33: {  	[sflag:s20] =	ssyncset.done $0x0  }
0x34: {  	[sflag:s20] =	ssyncadd.s32 $0xFFFFF000  }
0x35: {  	_ =	swait.ge [sflag:s20], $0x1000  }
0x36: {  	[sflag:s20] =	ssyncset.done $0x0  }
0x37: {  	[sflag:s20] =	ssyncadd.s32 $0xFFFFF000  }
0x38: {  	_ =	swait.ge [sflag:s20], $0x1000  }
0x39: {  	[sflag:s20] =	ssyncset.done $0x0  }
0x3a: {  	[sflag:s20] =	ssyncadd.s32 $0xFFFFF000  }
0x3b: {  	_ =	swait.ge [sflag:s20], $0x1000  }
0x3c: {  	[sflag:s20] =	ssyncset.done $0x0  }
0x3d: {  	[sflag:s20] =	ssyncadd.s32 $0xFFFFF000  }
0x3e: {  	_ =	swait.ge [sflag:s20], $0x1000  }
0x3f: {  	[sflag:s20] =	ssyncset.done $0x0  }
0x40: {  	[sflag:s20] =	ssyncadd.s32 $0xFFFFF000  }
0x41: {  	_ =	swait.ge [sflag:s20], $0x1000  }
0x42: {  	[sflag:s20] =	ssyncset.done $0x0  }
0x43: {  	s24 =	simm.s32 $0x0;
	[sflag:s20] =	ssyncadd.s32 $0xFFFFF000  }
0x44: {  	v6 =	vld [tilespmem:s24+$0x2930]  }
0x45: {  	v8 =	vld [tilespmem:s24+$0x2900]  }
0x46: {  	v7 =	vld [tilespmem:s24+$0x2910]  }
0x47: {  	s25 =	simm.s32 $0x100;
	v9 =	vld [tilespmem:s24+$0x2920]  }
.LBB2_3:
0x48: {  	p0 =	sne.s32 s25, $0x3F00  }
.Ltmp0:
0x49: {  	s26 =	sshra.s32 s25, $0x2;
	s25 =	sadd.s32 $0x100, s25;
	v0 =	vadd.f32 v6, v0;
	(pc) =	sbr.rel @p0 .LBB2_3-.Ltmp0, $4  }
0x4a: {  	v6 =	vld [tilespmem:s26+$0x2930];
	v3 =	vadd.f32 v8, v3  }
0x4b: {  	v8 =	vld [tilespmem:s26+$0x2900];
	v1 =	vadd.f32 v7, v1  }
0x4c: {  	v7 =	vld [tilespmem:s26+$0x2910];
	v2 =	vadd.f32 v9, v2  }
0x4d: {  	v9 =	vld [tilespmem:s26+$0x2920]  }
0x4e: {  	_ = 	snop  }
0x4f: {  	v4 =	vld [tilespmem:s24+$0x3930]  }
0x50: {  	v5 =	vld [tilespmem:s24+$0x3900]  }
0x51: {  	v0 =	vadd.f32 v6, v0;
	v6 =	vld [tilespmem:s24+$0x3910]  }
0x52: {  	v2 =	vadd.f32 v9, v2;
	v9 =	vld [tilespmem:s24+$0x3920]  }
0x53: {  	s25 =	simm.s32 $0x100;
	v3 =	vadd.f32 v8, v3;
	v1 =	vadd.f32 v7, v1  }
.LBB2_5:
0x54: {  	s24 =	sshra.s32 s25, $0x2;
	p0 =	sne.s32 s25, $0x3F00;
	s25 =	sadd.s32 $0x100, s25;
	v0 =	vadd.f32 v4, v0  }
.Ltmp1:
0x55: {  	v4 =	vld [tilespmem:s24+$0x3930];
	v3 =	vadd.f32 v5, v3;
	(pc) =	sbr.rel @p0 .LBB2_5-.Ltmp1, $3  }
0x56: {  	v5 =	vld [tilespmem:s24+$0x3900];
	v1 =	vadd.f32 v6, v1  }
0x57: {  	v6 =	vld [tilespmem:s24+$0x3910];
	v2 =	vadd.f32 v9, v2  }
0x58: {  	v9 =	vld [tilespmem:s24+$0x3920];
	_ =	sdelay $0x1  }
0x59: {  	s24 =	simm.s32 $0x0  }
0x5a: {  	v7 =	vld [tilespmem:s24+$0x4930]  }
0x5b: {  	v8 =	vld [tilespmem:s24+$0x4900]  }
0x5c: {  	v0 =	vadd.f32 v4, v0;
	v4 =	vadd.f32 v5, v3;
	v10 =	vld [tilespmem:s24+$0x4910]  }
0x5d: {  	s25 =	simm.s32 $0x100;
	v11 =	vld [tilespmem:s24+$0x4920];
	v5 =	vadd.f32 v6, v1;
	v9 =	vadd.f32 v9, v2  }
.LBB2_7:
0x5e: {  	p0 =	sne.s32 s25, $0x3F00  }
.Ltmp2:
0x5f: {  	s26 =	sshra.s32 s25, $0x2;
	s25 =	sadd.s32 $0x100, s25;
	v0 =	vadd.f32 v7, v0;
	(pc) =	sbr.rel @p0 .LBB2_7-.Ltmp2, $4  }
0x60: {  	v7 =	vld [tilespmem:s26+$0x4930];
	v4 =	vadd.f32 v8, v4  }
0x61: {  	v8 =	vld [tilespmem:s26+$0x4900];
	v5 =	vadd.f32 v10, v5  }
0x62: {  	v10 =	vld [tilespmem:s26+$0x4910];
	v9 =	vadd.f32 v11, v9  }
0x63: {  	v11 =	vld [tilespmem:s26+$0x4920]  }
0x64: {  	v1 =	vld [tilespmem:s24+$0x5930]  }
0x65: {  	v3 =	vld [tilespmem:s24+$0x5900]  }
0x66: {  	v6 =	vld [tilespmem:s24+$0x5910];
	v0 =	vadd.f32 v7, v0  }
0x67: {  	v2 =	vadd.f32 v8, v4;
	v4 =	vadd.f32 v10, v5;
	v10 =	vld [tilespmem:s24+$0x5920]  }
0x68: {  	s25 =	simm.s32 $0x100;
	v5 =	vadd.f32 v11, v9  }
.LBB2_9:
0x69: {  	s24 =	sshra.s32 s25, $0x2;
	p0 =	sne.s32 s25, $0x3F00;
	s25 =	sadd.s32 $0x100, s25;
	v0 =	vadd.f32 v1, v0  }
.Ltmp3:
0x6a: {  	v1 =	vld [tilespmem:s24+$0x5930];
	v2 =	vadd.f32 v3, v2;
	(pc) =	sbr.rel @p0 .LBB2_9-.Ltmp3, $3  }
0x6b: {  	v3 =	vld [tilespmem:s24+$0x5900];
	v4 =	vadd.f32 v6, v4  }
0x6c: {  	v6 =	vld [tilespmem:s24+$0x5910];
	v5 =	vadd.f32 v10, v5  }
0x6d: {  	v10 =	vld [tilespmem:s24+$0x5920];
	_ =	sdelay $0x1  }
0x6e: {  	s24 =	simm.s32 $0x0  }
0x6f: {  	v7 =	vld [tilespmem:s24+$0x6930]  }
0x70: {  	v8 =	vld [tilespmem:s24+$0x6900]  }
0x71: {  	v0 =	vadd.f32 v1, v0;
	v1 =	vadd.f32 v3, v2;
	v9 =	vld [tilespmem:s24+$0x6910]  }
0x72: {  	s25 =	simm.s32 $0x100;
	v2 =	vadd.f32 v6, v4;
	v3 =	vadd.f32 v10, v5;
	v10 =	vld [tilespmem:s24+$0x6920]  }
.LBB2_11:
0x73: {  	p0 =	sne.s32 s25, $0x3F00  }
.Ltmp4:
0x74: {  	s26 =	sshra.s32 s25, $0x2;
	s25 =	sadd.s32 $0x100, s25;
	v0 =	vadd.f32 v7, v0;
	(pc) =	sbr.rel @p0 .LBB2_11-.Ltmp4, $4  }
0x75: {  	v7 =	vld [tilespmem:s26+$0x6930];
	v1 =	vadd.f32 v8, v1  }
0x76: {  	v8 =	vld [tilespmem:s26+$0x6900];
	v2 =	vadd.f32 v9, v2  }
0x77: {  	v9 =	vld [tilespmem:s26+$0x6910];
	v3 =	vadd.f32 v10, v3  }
0x78: {  	v10 =	vld [tilespmem:s26+$0x6920]  }
0x79: {  	_ = 	snop  }
0x7a: {  	v4 =	vld [tilespmem:s24+$0x7930]  }
0x7b: {  	v5 =	vld [tilespmem:s24+$0x7900]  }
0x7c: {  	v6 =	vld [tilespmem:s24+$0x7910];
	v0 =	vadd.f32 v7, v0;
	v1 =	vadd.f32 v8, v1  }
0x7d: {  	s25 =	simm.s32 $0x100;
	v2 =	vadd.f32 v9, v2;
	v9 =	vld [tilespmem:s24+$0x7920];
	v3 =	vadd.f32 v10, v3  }
.LBB2_13:
0x7e: {  	p0 =	sne.s32 s25, $0x3F00  }
.Ltmp5:
0x7f: {  	s24 =	sshra.s32 s25, $0x2;
	s25 =	sadd.s32 $0x100, s25;
	v0 =	vadd.f32 v4, v0;
	(pc) =	sbr.rel @p0 .LBB2_13-.Ltmp5, $4  }
0x80: {  	v4 =	vld [tilespmem:s24+$0x7930];
	v1 =	vadd.f32 v5, v1  }
0x81: {  	v5 =	vld [tilespmem:s24+$0x7900];
	v2 =	vadd.f32 v6, v2  }
0x82: {  	v6 =	vld [tilespmem:s24+$0x7910];
	v3 =	vadd.f32 v9, v3  }
0x83: {  	v9 =	vld [tilespmem:s24+$0x7920]  }
0x84: {  	s25 =	simm.s32 $0x0  }
0x85: {  	v7 =	vld [tilespmem:s25+$0x8930]  }
0x86: {  	v8 =	vld [tilespmem:s25+$0x8900]  }
0x87: {  	v0 =	vadd.f32 v4, v0;
	v1 =	vadd.f32 v5, v1;
	v5 =	vld [tilespmem:s25+$0x8910]  }
0x88: {  	s24 =	simm.s32 $0x100;
	v2 =	vadd.f32 v6, v2;
	v6 =	vld [tilespmem:s25+$0x8920];
	v4 =	vadd.f32 v9, v3  }
.LBB2_15:
0x89: {  	p0 =	sne.s32 s24, $0x3F00  }
.Ltmp6:
0x8a: {  	s25 =	sshra.s32 s24, $0x2;
	s24 =	sadd.s32 $0x100, s24;
	v0 =	vadd.f32 v7, v0;
	(pc) =	sbr.rel @p0 .LBB2_15-.Ltmp6, $4  }
0x8b: {  	v7 =	vld [tilespmem:s25+$0x8930];
	v1 =	vadd.f32 v8, v1  }
0x8c: {  	v8 =	vld [tilespmem:s25+$0x8900];
	v2 =	vadd.f32 v5, v2  }
0x8d: {  	v5 =	vld [tilespmem:s25+$0x8910];
	v4 =	vadd.f32 v6, v4  }
0x8e: {  	v6 =	vld [tilespmem:s25+$0x8920]  }
0x8f: {  	s23 =	sadd.s32 $0x1, s23  }
0x90: {  	p0 =	sne.s32 s23, $0x7  }
.Ltmp7:
0x91: {  	_ = 	snop;
	(pc) =	sbr.rel @p0 .LBB2_2-.Ltmp7, $3  }
0x92: {  	_ =	sdelay $0x1  }
0x93: {  	v0 =	vadd.f32 v7, v0;
	v3 =	vadd.f32 v8, v1  }
0x94: {  	v1 =	vadd.f32 v5, v2;
	v2 =	vadd.f32 v6, v4  }
0x95: {  	_ = 	snop  }
0x96: {  	v2 =	vadd.f32 v2, v3  }
0x97: {  	s22 =	sadd.s32 $0x1, s22;
	v0 =	vadd.f32 v0, v1  }
0x98: {  	p0 =	sne.s32 s22, s8;
	[tilespmem:$0x9900] =	vst v2  }
.Ltmp8:
0x99: {  	[tilespmem:$0x9910] =	vst v0;
	(pc) =	sbr.rel @p0 .LBB2_1-.Ltmp8, $4  }
0x9a: {  	[hbm4b:s7+s2] =	stream.linear.scatter [tilespmem:s21], [sflag:$0x3], $0x20, $0x38;
	[tilespmem:$0x9920] =	vst v63  }
0x9b: {  	_ =	swait.ge [sflag:s9], $0x20  }
0x9c: {  	[sflag:s9] =	ssyncset.done $0x0  }
0x9d: {  	[sflag:s9] =	ssyncadd.s32 $0xFFFFFFE0  }
0x9e: {  	_ =	sfence.sel $0x180000  }
0x9f: {  	[bflag:$0x0] =	sbarrier.arrive $0xFFFF  }
0xa0: {  	p0 =	sne.s32 s0, $0x0;
	_ =	strace $0x90000047  }
0xa1: {  	s0 =	sadd.s32 @!p0 $0x100000, s1;
	[bflag:$0x2] =	sbarrier.arrive $0xFFFF  }
0xa2: {  	[sflag:s0] =	ssyncadd.tile.s32 @!p0 $0x1;
	_ =	shalt  }
.Lfunc_end2:
_tile_overlayer_lowered:
.L_overlay_start_2:
0xa3: {  	(tag) =	ssettag $0x2  }
0xa4: {  	s0 =	rddreg [dreg:$0x0];
	s2 =	stileid.u32  }
0xa5: {  	s1 =	rddreg [dreg:$0x1];
	p0 =	sne.s32 s2, $0x0  }
0xa6: {  	s3 =	rddreg [dreg:$0x2];
	[bflag:$0x3] =	sbarrier.arrive $0xFFFF;
	s2 =	simm.s32 @!p0 $0x1C03  }
0xa7: {  	[timem:s3], [sflag:s2] =	dma.local @!p0 [hbm:s0], s1  }
0xa8: {  	s0 =	simm.s32 @!p0 $0x3  }
0xa9: {  	_ =	swait.ge @!p0 [sflag:s0], s1  }
0xaa: {  	s1 =	ssub.s32 @!p0 $0x0, s1;
	[sflag:s0] =	ssyncset.done @!p0 $0x0  }
0xab: {  	[sflag:s0] =	ssyncadd.s32 @!p0 s1  }
0xac: {  	[bflag:$0x3] =	sbarrier.arrive $0xFFFF  }
0xad: {  	_ =	shalt  }

</sc_bundles>
